<compile_context>
chip_gen: v7x
topology: tpu7x:2x2x1
jax: 0.10.2.dev20260603
libtpu: 0.0.44.dev20260713+nightly
codegen_flags: <defaults>
</compile_context>

<pallas_src>
import jax
import jax.numpy as jnp
from jax import lax
from jax.experimental import pallas as pl
from jax.experimental.pallas import tpu as pltpu
from jax.experimental.pallas import tpu_sc as plsc

NUM_USER = 1000000
EMBED_DIM = 32
BATCH = 16384
LANES = 16
BSZ = 8


def kernel(user_fea, table):
    idx = user_fea[:, 0].astype(jnp.int32)
    table_t = table.T

    info = plsc.get_sparse_core_info()
    nc, ns = info.num_cores, info.num_subcores
    nw = nc * ns
    b_per_w = BATCH // nw
    n_batches = b_per_w // BSZ

    def body(tt_hbm, idx_hbm, out_hbm, idx_v, ring, slab, sem_a, sem_b):
        wid = lax.axis_index("s") * nc + lax.axis_index("c")
        base = pl.multiple_of(wid * b_per_w, b_per_w)
        pltpu.sync_copy(idx_hbm.at[pl.ds(base, b_per_w)], idx_v.at[pl.ds(0, b_per_w)])
        lanes = lax.iota(jnp.int32, LANES)

        def fire(n, slot0, sem):
            vec = idx_v[pl.ds(n * BSZ, LANES)]
            for k in range(BSZ):
                r = jnp.sum(jnp.where(lanes == k, vec, 0))
                q = pl.multiple_of((r >> 7) * 128, 128)
                pltpu.async_copy(
                    tt_hbm.at[:, pl.ds(q, 128)], ring.at[slot0 + k], sem
                )

        def drain(slot0, sem):
            for k in range(BSZ):
                pltpu.make_async_copy(
                    tt_hbm.at[:, pl.ds(0, 128)], ring.at[slot0 + k], sem
                ).wait()

        def extract(n, slot0):
            vec = idx_v[pl.ds(n * BSZ, LANES)]
            for k in range(BSZ):
                m = jnp.sum(jnp.where(lanes == k, vec, 0)) & 127
                mvec = lanes * 0 + m
                jvec = lanes * 0 + (n * BSZ + k)
                lo = plsc.load_gather(ring.at[slot0 + k], [lanes, mvec])
                hi = plsc.load_gather(ring.at[slot0 + k], [lanes + LANES, mvec])
                plsc.store_scatter(slab, [lanes, jvec], lo)
                plsc.store_scatter(slab, [lanes + LANES, jvec], hi)

        fire(0, 0, sem_a)

        def step(t, carry):
            pl.when(2 * t + 1 < n_batches)(lambda: fire(2 * t + 1, BSZ, sem_b))
            drain(0, sem_a)
            extract(2 * t, 0)
            pl.when(2 * t + 2 < n_batches)(lambda: fire(2 * t + 2, 0, sem_a))
            pl.when(2 * t + 1 < n_batches)(
                lambda: (drain(BSZ, sem_b), extract(2 * t + 1, BSZ))[1]
            )
            return carry

        lax.fori_loop(0, n_batches // 2, step, 0)
        pltpu.sync_copy(slab, out_hbm.at[:, pl.ds(base, b_per_w)])

    f = pl.kernel(
        body,
        out_type=jax.ShapeDtypeStruct((EMBED_DIM, BATCH), jnp.float32),
        mesh=plsc.VectorSubcoreMesh(core_axis_name="c", subcore_axis_name="s"),
        scratch_types=[
            pltpu.VMEM((b_per_w + LANES - BSZ,), jnp.int32),
            pltpu.VMEM((2 * BSZ, EMBED_DIM, 128), jnp.float32),
            pltpu.VMEM((EMBED_DIM, b_per_w), jnp.float32),
            pltpu.SemaphoreType.DMA,
            pltpu.SemaphoreType.DMA,
        ],
        compiler_params=pltpu.CompilerParams(
            use_tc_tiling_on_sc=True, needs_layout_passes=False
        ),
    )
    out_t = f(table_t, idx)
    return out_t.T

# --- scband reference (transcript-rebuilt; emitter-appended) ---
"""Pipeline reference for scband-user-embedding-db-id-23527830848125 (READ-ONLY COPY).

The authoritative reference and input builder live on the scoring server;
editing this copy changes nothing except your own understanding.
"""

import jax, jax.numpy as jnp
import numpy as np

NUM_USER = 1000000
EMBED_DIM = 32
BATCH = 16384
N_FIELDS = 26


def setup_inputs(seed: int = 0) -> dict:
    key = jax.random.key(seed)
    k1, k2 = jax.random.split(key)
    user_fea = jax.random.randint(k1, (BATCH, N_FIELDS), 0, NUM_USER, dtype=jnp.int64 if jax.config.read('jax_enable_x64') else jnp.int32)
    table = jax.random.normal(k2, (NUM_USER, EMBED_DIM), dtype=jnp.float32)
    return {"user_fea": user_fea, "table": table}


def reference(user_fea, table):
    # Faithful translation of UserEmbeddingDB_ID.forward:
    # take column 0 as user ids, gather embedding rows.
    userId_idx = user_fea[:, 0]
    userId_emb = jnp.take(table, userId_idx, axis=0)
    return userId_emb

if __name__ == "__main__":
    import jax
    _d = setup_inputs()
    print(jax.jit(kernel)(*tuple(_d.values())))

</pallas_src>

<mosaic_0001>
#map = affine_map<(d0, d1) -> (0, 0)>
#map1 = affine_map<(d0, d1) -> (0)>
module attributes {stable_mosaic.version = 14 : i64} {
  func.func @body(%arg0: i32, %arg1: i32, %arg2: memref<32x1000000xf32, #tpu.memory_space<hbm>>, %arg3: memref<16384xi32, #tpu.memory_space<hbm>>, %arg4: memref<32x16384xf32, #tpu.memory_space<hbm>>, %arg5: memref<520xi32, #tpu.memory_space<vmem>>, %arg6: memref<16x32x128xf32, #tpu.memory_space<vmem>>, %arg7: memref<32x512xf32, #tpu.memory_space<vmem>>, %arg8: memref<!tpu.dma_semaphore, #tpu.memory_space<semaphore_mem>>, %arg9: memref<!tpu.dma_semaphore, #tpu.memory_space<semaphore_mem>>) attributes {dimension_semantics = [#tpu.dimension_semantics<core_parallel>, #tpu.dimension_semantics<subcore_parallel>], iteration_bounds = array<i64: 2, 16>, scalar_prefetch = 0 : i64, scratch_operands = 5 : i64, tpu.core_type = #tpu.core_type<sc_vector_subcore>, window_params = [{transform_indices = #map}, {transform_indices = #map1}, {transform_indices = #map}]} {
    %mul3A = arith.constant 2 : i32
    %mul3A_0 = arith.muli %arg1, %mul3A : i32
    %add3A = arith.addi %mul3A_0, %arg0 : i32
    %mul3A_1 = arith.constant 512 : i32
    %mul3A_2 = arith.muli %add3A, %mul3A_1 : i32
    %multiple_of3A = tpu.assume_multiple %mul3A_2, 512 : i32
    "tpu.region"() ({
      %run_scoped3A = tpu.sem_alloc : memref<!tpu.dma_semaphore, #tpu.memory_space<semaphore_mem>>
      %dma_start3A_226 = arith.constant 0 : i32
      %dma_start3A_227 = tpu.memref_slice %arg5[%dma_start3A_226] : memref<520xi32, #tpu.memory_space<vmem>> -> memref<512xi32, #tpu.memory_space<vmem>>
      %dma_start3A_228 = tpu.memref_slice %arg3[%multiple_of3A] : memref<16384xi32, #tpu.memory_space<hbm>> -> memref<512xi32, #tpu.memory_space<hbm>>
      %dma_start3A_229 = arith.constant 0 : i32
      %dma_start3A_230 = tpu.memref_slice %arg5[%dma_start3A_229] : memref<520xi32, #tpu.memory_space<vmem>> -> memref<512xi32, #tpu.memory_space<vmem>>
      %dma_start3A_231 = tpu.memref_slice %arg3[%multiple_of3A] : memref<16384xi32, #tpu.memory_space<hbm>> -> memref<512xi32, #tpu.memory_space<hbm>>
      tpu.enqueue_dma source(%dma_start3A_231 : memref<512xi32, #tpu.memory_space<hbm>>) target(%dma_start3A_230 : memref<512xi32, #tpu.memory_space<vmem>>) target_semaphore(%run_scoped3A : memref<!tpu.dma_semaphore, #tpu.memory_space<semaphore_mem>>)
      %dma_wait3A = arith.constant 0 : i32
      %dma_wait3A_232 = tpu.memref_slice %arg5[%dma_wait3A] : memref<520xi32, #tpu.memory_space<vmem>> -> memref<512xi32, #tpu.memory_space<vmem>>
      %dma_wait3A_233 = tpu.memref_slice %arg3[%multiple_of3A] : memref<16384xi32, #tpu.memory_space<hbm>> -> memref<512xi32, #tpu.memory_space<hbm>>
      %dma_wait3A_234 = arith.constant 0 : i32
      %dma_wait3A_235 = tpu.memref_slice %arg5[%dma_wait3A_234] : memref<520xi32, #tpu.memory_space<vmem>> -> memref<512xi32, #tpu.memory_space<vmem>>
      %dma_wait3A_236 = tpu.memref_slice %arg3[%multiple_of3A] : memref<16384xi32, #tpu.memory_space<hbm>> -> memref<512xi32, #tpu.memory_space<hbm>>
      tpu.wait_dma2 semaphore(%run_scoped3A : memref<!tpu.dma_semaphore, #tpu.memory_space<semaphore_mem>>) src(%dma_wait3A_236 : memref<512xi32, #tpu.memory_space<hbm>>) dst(%dma_wait3A_235 : memref<512xi32, #tpu.memory_space<vmem>>)
      tpu.yield
    }) : () -> ()
    %iota3A = tpu.iota {dimensions = array<i32: 0>} : vector<16xi32>
    %get3A = arith.constant 0 : index
    %get3A_3 = tpu.vector_load %arg5[%get3A] {strides = array<i32>} : memref<520xi32, #tpu.memory_space<vmem>>, vector<16xi32>,
    %eq3A = arith.constant 0 : i32
    %eq3A_4 = vector.broadcast %eq3A : i32 to vector<16xi32>
    %eq3A_5 = arith.cmpi eq, %iota3A, %eq3A_4 : vector<16xi32>
    %jit3A = arith.constant 0 : i32
    %broadcast_in_dim3A = vector.broadcast %jit3A : i32 to vector<16xi32>
    %select_n3A = arith.select %eq3A_5, %get3A_3, %broadcast_in_dim3A : vector<16xi1>, vector<16xi32>
    %reduce_sum3A = arith.constant true
    %reduce_sum3A_6 = vector.broadcast %reduce_sum3A : i1 to vector<16xi1>
    %reduce_sum3A_7 = tpu.scan <sum>, %select_n3A masked %reduce_sum3A_6 : vector<16xi32>, vector<16xi1> -> vector<16xi32>
    %reduce_sum3A_8 = vector.extract %reduce_sum3A_7[15] : i32 from vector<16xi32>
    %shift_right_arithmetic3A = arith.constant 7 : i32
    %shift_right_arithmetic3A_9 = arith.shrsi %reduce_sum3A_8, %shift_right_arithmetic3A : i32
    %mul3A_10 = arith.constant 128 : i32
    %mul3A_11 = arith.muli %shift_right_arithmetic3A_9, %mul3A_10 : i32
    %multiple_of3A_12 = tpu.assume_multiple %mul3A_11, 128 : i32
    %dma_start3A = arith.constant 0 : i32
    %dma_start3A_13 = arith.constant 0 : i32
    %dma_start3A_14 = arith.constant 0 : i32
    %dma_start3A_15 = tpu.memref_slice %arg6[%dma_start3A, %dma_start3A_13, %dma_start3A_14] : memref<16x32x128xf32, #tpu.memory_space<vmem>> -> memref<1x32x128xf32, #tpu.memory_space<vmem>>
    %dma_start3A_16 = tpu.memref_squeeze %dma_start3A_15 : memref<1x32x128xf32, #tpu.memory_space<vmem>> -> memref<32x128xf32, #tpu.memory_space<vmem>>
    %dma_start3A_17 = arith.constant 0 : i32
    %dma_start3A_18 = tpu.memref_slice %arg2[%dma_start3A_17, %multiple_of3A_12] : memref<32x1000000xf32, #tpu.memory_space<hbm>> -> memref<32x128xf32, #tpu.memory_space<hbm>>
    %dma_start3A_19 = arith.constant 0 : i32
    %dma_start3A_20 = arith.constant 0 : i32
    %dma_start3A_21 = tpu.memref_slice %arg6[%dma_start3A, %dma_start3A_19, %dma_start3A_20] : memref<16x32x128xf32, #tpu.memory_space<vmem>> -> memref<1x32x128xf32, #tpu.memory_space<vmem>>
    %dma_start3A_22 = tpu.memref_squeeze %dma_start3A_21 : memref<1x32x128xf32, #tpu.memory_space<vmem>> -> memref<32x128xf32, #tpu.memory_space<vmem>>
    %dma_start3A_23 = arith.constant 0 : i32
    %dma_start3A_24 = tpu.memref_slice %arg2[%dma_start3A_23, %multiple_of3A_12] : memref<32x1000000xf32, #tpu.memory_space<hbm>> -> memref<32x128xf32, #tpu.memory_space<hbm>>
    tpu.enqueue_dma source(%dma_start3A_24 : memref<32x128xf32, #tpu.memory_space<hbm>>) target(%dma_start3A_22 : memref<32x128xf32, #tpu.memory_space<vmem>>) target_semaphore(%arg8 : memref<!tpu.dma_semaphore, #tpu.memory_space<semaphore_mem>>)
    %eq3A_25 = arith.constant 1 : i32
    %eq3A_26 = vector.broadcast %eq3A_25 : i32 to vector<16xi32>
    %eq3A_27 = arith.cmpi eq, %iota3A, %eq3A_26 : vector<16xi32>
    %jit3A_28 = arith.constant 0 : i32
    %broadcast_in_dim3A_29 = vector.broadcast %jit3A_28 : i32 to vector<16xi32>
    %select_n3A_30 = arith.select %eq3A_27, %get3A_3, %broadcast_in_dim3A_29 : vector<16xi1>, vector<16xi32>
    %reduce_sum3A_31 = arith.constant true
    %reduce_sum3A_32 = vector.broadcast %reduce_sum3A_31 : i1 to vector<16xi1>
    %reduce_sum3A_33 = tpu.scan <sum>, %select_n3A_30 masked %reduce_sum3A_32 : vector<16xi32>, vector<16xi1> -> vector<16xi32>
    %reduce_sum3A_34 = vector.extract %reduce_sum3A_33[15] : i32 from vector<16xi32>
    %shift_right_arithmetic3A_35 = arith.constant 7 : i32
    %shift_right_arithmetic3A_36 = arith.shrsi %reduce_sum3A_34, %shift_right_arithmetic3A_35 : i32
    %mul3A_37 = arith.constant 128 : i32
    %mul3A_38 = arith.muli %shift_right_arithmetic3A_36, %mul3A_37 : i32
    %multiple_of3A_39 = tpu.assume_multiple %mul3A_38, 128 : i32
    %dma_start3A_40 = arith.constant 1 : i32
    %dma_start3A_41 = arith.constant 0 : i32
    %dma_start3A_42 = arith.constant 0 : i32
    %dma_start3A_43 = tpu.memref_slice %arg6[%dma_start3A_40, %dma_start3A_41, %dma_start3A_42] : memref<16x32x128xf32, #tpu.memory_space<vmem>> -> memref<1x32x128xf32, #tpu.memory_space<vmem>>
    %dma_start3A_44 = tpu.memref_squeeze %dma_start3A_43 : memref<1x32x128xf32, #tpu.memory_space<vmem>> -> memref<32x128xf32, #tpu.memory_space<vmem>>
    %dma_start3A_45 = arith.constant 0 : i32
    %dma_start3A_46 = tpu.memref_slice %arg2[%dma_start3A_45, %multiple_of3A_39] : memref<32x1000000xf32, #tpu.memory_space<hbm>> -> memref<32x128xf32, #tpu.memory_space<hbm>>
    %dma_start3A_47 = arith.constant 0 : i32
    %dma_start3A_48 = arith.constant 0 : i32
    %dma_start3A_49 = tpu.memref_slice %arg6[%dma_start3A_40, %dma_start3A_47, %dma_start3A_48] : memref<16x32x128xf32, #tpu.memory_space<vmem>> -> memref<1x32x128xf32, #tpu.memory_space<vmem>>
    %dma_start3A_50 = tpu.memref_squeeze %dma_start3A_49 : memref<1x32x128xf32, #tpu.memory_space<vmem>> -> memref<32x128xf32, #tpu.memory_space<vmem>>
    %dma_start3A_51 = arith.constant 0 : i32
    %dma_start3A_52 = tpu.memref_slice %arg2[%dma_start3A_51, %multiple_of3A_39] : memref<32x1000000xf32, #tpu.memory_space<hbm>> -> memref<32x128xf32, #tpu.memory_space<hbm>>
    tpu.enqueue_dma source(%dma_start3A_52 : memref<32x128xf32, #tpu.memory_space<hbm>>) target(%dma_start3A_50 : memref<32x128xf32, #tpu.memory_space<vmem>>) target_semaphore(%arg8 : memref<!tpu.dma_semaphore, #tpu.memory_space<semaphore_mem>>)
    %eq3A_53 = arith.constant 2 : i32
    %eq3A_54 = vector.broadcast %eq3A_53 : i32 to vector<16xi32>
    %eq3A_55 = arith.cmpi eq, %iota3A, %eq3A_54 : vector<16xi32>
    %jit3A_56 = arith.constant 0 : i32
    %broadcast_in_dim3A_57 = vector.broadcast %jit3A_56 : i32 to vector<16xi32>
    %select_n3A_58 = arith.select %eq3A_55, %get3A_3, %broadcast_in_dim3A_57 : vector<16xi1>, vector<16xi32>
    %reduce_sum3A_59 = arith.constant true
    %reduce_sum3A_60 = vector.broadcast %reduce_sum3A_59 : i1 to vector<16xi1>
    %reduce_sum3A_61 = tpu.scan <sum>, %select_n3A_58 masked %reduce_sum3A_60 : vector<16xi32>, vector<16xi1> -> vector<16xi32>
    %reduce_sum3A_62 = vector.extract %reduce_sum3A_61[15] : i32 from vector<16xi32>
    %shift_right_arithmetic3A_63 = arith.constant 7 : i32
    %shift_right_arithmetic3A_64 = arith.shrsi %reduce_sum3A_62, %shift_right_arithmetic3A_63 : i32
    %mul3A_65 = arith.constant 128 : i32
    %mul3A_66 = arith.muli %shift_right_arithmetic3A_64, %mul3A_65 : i32
    %multiple_of3A_67 = tpu.assume_multiple %mul3A_66, 128 : i32
    %dma_start3A_68 = arith.constant 2 : i32
    %dma_start3A_69 = arith.constant 0 : i32
    %dma_start3A_70 = arith.constant 0 : i32
    %dma_start3A_71 = tpu.memref_slice %arg6[%dma_start3A_68, %dma_start3A_69, %dma_start3A_70] : memref<16x32x128xf32, #tpu.memory_space<vmem>> -> memref<1x32x128xf32, #tpu.memory_space<vmem>>
    %dma_start3A_72 = tpu.memref_squeeze %dma_start3A_71 : memref<1x32x128xf32, #tpu.memory_space<vmem>> -> memref<32x128xf32, #tpu.memory_space<vmem>>
    %dma_start3A_73 = arith.constant 0 : i32
    %dma_start3A_74 = tpu.memref_slice %arg2[%dma_start3A_73, %multiple_of3A_67] : memref<32x1000000xf32, #tpu.memory_space<hbm>> -> memref<32x128xf32, #tpu.memory_space<hbm>>
    %dma_start3A_75 = arith.constant 0 : i32
    %dma_start3A_76 = arith.constant 0 : i32
    %dma_start3A_77 = tpu.memref_slice %arg6[%dma_start3A_68, %dma_start3A_75, %dma_start3A_76] : memref<16x32x128xf32, #tpu.memory_space<vmem>> -> memref<1x32x128xf32, #tpu.memory_space<vmem>>
    %dma_start3A_78 = tpu.memref_squeeze %dma_start3A_77 : memref<1x32x128xf32, #tpu.memory_space<vmem>> -> memref<32x128xf32, #tpu.memory_space<vmem>>
    %dma_start3A_79 = arith.constant 0 : i32
    %dma_start3A_80 = tpu.memref_slice %arg2[%dma_start3A_79, %multiple_of3A_67] : memref<32x1000000xf32, #tpu.memory_space<hbm>> -> memref<32x128xf32, #tpu.memory_space<hbm>>
    tpu.enqueue_dma source(%dma_start3A_80 : memref<32x128xf32, #tpu.memory_space<hbm>>) target(%dma_start3A_78 : memref<32x128xf32, #tpu.memory_space<vmem>>) target_semaphore(%arg8 : memref<!tpu.dma_semaphore, #tpu.memory_space<semaphore_mem>>)
    %eq3A_81 = arith.constant 3 : i32
    %eq3A_82 = vector.broadcast %eq3A_81 : i32 to vector<16xi32>
    %eq3A_83 = arith.cmpi eq, %iota3A, %eq3A_82 : vector<16xi32>
    %jit3A_84 = arith.constant 0 : i32
    %broadcast_in_dim3A_85 = vector.broadcast %jit3A_84 : i32 to vector<16xi32>
    %select_n3A_86 = arith.select %eq3A_83, %get3A_3, %broadcast_in_dim3A_85 : vector<16xi1>, vector<16xi32>
    %reduce_sum3A_87 = arith.constant true
    %reduce_sum3A_88 = vector.broadcast %reduce_sum3A_87 : i1 to vector<16xi1>
    %reduce_sum3A_89 = tpu.scan <sum>, %select_n3A_86 masked %reduce_sum3A_88 : vector<16xi32>, vector<16xi1> -> vector<16xi32>
    %reduce_sum3A_90 = vector.extract %reduce_sum3A_89[15] : i32 from vector<16xi32>
    %shift_right_arithmetic3A_91 = arith.constant 7 : i32
    %shift_right_arithmetic3A_92 = arith.shrsi %reduce_sum3A_90, %shift_right_arithmetic3A_91 : i32
    %mul3A_93 = arith.constant 128 : i32
    %mul3A_94 = arith.muli %shift_right_arithmetic3A_92, %mul3A_93 : i32
    %multiple_of3A_95 = tpu.assume_multiple %mul3A_94, 128 : i32
    %dma_start3A_96 = arith.constant 3 : i32
    %dma_start3A_97 = arith.constant 0 : i32
    %dma_start3A_98 = arith.constant 0 : i32
    %dma_start3A_99 = tpu.memref_slice %arg6[%dma_start3A_96, %dma_start3A_97, %dma_start3A_98] : memref<16x32x128xf32, #tpu.memory_space<vmem>> -> memref<1x32x128xf32, #tpu.memory_space<vmem>>
    %dma_start3A_100 = tpu.memref_squeeze %dma_start3A_99 : memref<1x32x128xf32, #tpu.memory_space<vmem>> -> memref<32x128xf32, #tpu.memory_space<vmem>>
    %dma_start3A_101 = arith.constant 0 : i32
    %dma_start3A_102 = tpu.memref_slice %arg2[%dma_start3A_101, %multiple_of3A_95] : memref<32x1000000xf32, #tpu.memory_space<hbm>> -> memref<32x128xf32, #tpu.memory_space<hbm>>
    %dma_start3A_103 = arith.constant 0 : i32
    %dma_start3A_104 = arith.constant 0 : i32
    %dma_start3A_105 = tpu.memref_slice %arg6[%dma_start3A_96, %dma_start3A_103, %dma_start3A_104] : memref<16x32x128xf32, #tpu.memory_space<vmem>> -> memref<1x32x128xf32, #tpu.memory_space<vmem>>
    %dma_start3A_106 = tpu.memref_squeeze %dma_start3A_105 : memref<1x32x128xf32, #tpu.memory_space<vmem>> -> memref<32x128xf32, #tpu.memory_space<vmem>>
    %dma_start3A_107 = arith.constant 0 : i32
    %dma_start3A_108 = tpu.memref_slice %arg2[%dma_start3A_107, %multiple_of3A_95] : memref<32x1000000xf32, #tpu.memory_space<hbm>> -> memref<32x128xf32, #tpu.memory_space<hbm>>
    tpu.enqueue_dma source(%dma_start3A_108 : memref<32x128xf32, #tpu.memory_space<hbm>>) target(%dma_start3A_106 : memref<32x128xf32, #tpu.memory_space<vmem>>) target_semaphore(%arg8 : memref<!tpu.dma_semaphore, #tpu.memory_space<semaphore_mem>>)
    %eq3A_109 = arith.constant 4 : i32
    %eq3A_110 = vector.broadcast %eq3A_109 : i32 to vector<16xi32>
    %eq3A_111 = arith.cmpi eq, %iota3A, %eq3A_110 : vector<16xi32>
    %jit3A_112 = arith.constant 0 : i32
    %broadcast_in_dim3A_113 = vector.broadcast %jit3A_112 : i32 to vector<16xi32>
    %select_n3A_114 = arith.select %eq3A_111, %get3A_3, %broadcast_in_dim3A_113 : vector<16xi1>, vector<16xi32>
    %reduce_sum3A_115 = arith.constant true
    %reduce_sum3A_116 = vector.broadcast %reduce_sum3A_115 : i1 to vector<16xi1>
    %reduce_sum3A_117 = tpu.scan <sum>, %select_n3A_114 masked %reduce_sum3A_116 : vector<16xi32>, vector<16xi1> -> vector<16xi32>
    %reduce_sum3A_118 = vector.extract %reduce_sum3A_117[15] : i32 from vector<16xi32>
    %shift_right_arithmetic3A_119 = arith.constant 7 : i32
    %shift_right_arithmetic3A_120 = arith.shrsi %reduce_sum3A_118, %shift_right_arithmetic3A_119 : i32
    %mul3A_121 = arith.constant 128 : i32
    %mul3A_122 = arith.muli %shift_right_arithmetic3A_120, %mul3A_121 : i32
    %multiple_of3A_123 = tpu.assume_multiple %mul3A_122, 128 : i32
    %dma_start3A_124 = arith.constant 4 : i32
    %dma_start3A_125 = arith.constant 0 : i32
    %dma_start3A_126 = arith.constant 0 : i32
    %dma_start3A_127 = tpu.memref_slice %arg6[%dma_start3A_124, %dma_start3A_125, %dma_start3A_126] : memref<16x32x128xf32, #tpu.memory_space<vmem>> -> memref<1x32x128xf32, #tpu.memory_space<vmem>>
    %dma_start3A_128 = tpu.memref_squeeze %dma_start3A_127 : memref<1x32x128xf32, #tpu.memory_space<vmem>> -> memref<32x128xf32, #tpu.memory_space<vmem>>
    %dma_start3A_129 = arith.constant 0 : i32
    %dma_start3A_130 = tpu.memref_slice %arg2[%dma_start3A_129, %multiple_of3A_123] : memref<32x1000000xf32, #tpu.memory_space<hbm>> -> memref<32x128xf32, #tpu.memory_space<hbm>>
    %dma_start3A_131 = arith.constant 0 : i32
    %dma_start3A_132 = arith.constant 0 : i32
    %dma_start3A_133 = tpu.memref_slice %arg6[%dma_start3A_124, %dma_start3A_131, %dma_start3A_132] : memref<16x32x128xf32, #tpu.memory_space<vmem>> -> memref<1x32x128xf32, #tpu.memory_space<vmem>>
    %dma_start3A_134 = tpu.memref_squeeze %dma_start3A_133 : memref<1x32x128xf32, #tpu.memory_space<vmem>> -> memref<32x128xf32, #tpu.memory_space<vmem>>
    %dma_start3A_135 = arith.constant 0 : i32
    %dma_start3A_136 = tpu.memref_slice %arg2[%dma_start3A_135, %multiple_of3A_123] : memref<32x1000000xf32, #tpu.memory_space<hbm>> -> memref<32x128xf32, #tpu.memory_space<hbm>>
    tpu.enqueue_dma source(%dma_start3A_136 : memref<32x128xf32, #tpu.memory_space<hbm>>) target(%dma_start3A_134 : memref<32x128xf32, #tpu.memory_space<vmem>>) target_semaphore(%arg8 : memref<!tpu.dma_semaphore, #tpu.memory_space<semaphore_mem>>)
    %eq3A_137 = arith.constant 5 : i32
    %eq3A_138 = vector.broadcast %eq3A_137 : i32 to vector<16xi32>
    %eq3A_139 = arith.cmpi eq, %iota3A, %eq3A_138 : vector<16xi32>
    %jit3A_140 = arith.constant 0 : i32
    %broadcast_in_dim3A_141 = vector.broadcast %jit3A_140 : i32 to vector<16xi32>
    %select_n3A_142 = arith.select %eq3A_139, %get3A_3, %broadcast_in_dim3A_141 : vector<16xi1>, vector<16xi32>
    %reduce_sum3A_143 = arith.constant true
    %reduce_sum3A_144 = vector.broadcast %reduce_sum3A_143 : i1 to vector<16xi1>
    %reduce_sum3A_145 = tpu.scan <sum>, %select_n3A_142 masked %reduce_sum3A_144 : vector<16xi32>, vector<16xi1> -> vector<16xi32>
    %reduce_sum3A_146 = vector.extract %reduce_sum3A_145[15] : i32 from vector<16xi32>
    %shift_right_arithmetic3A_147 = arith.constant 7 : i32
    %shift_right_arithmetic3A_148 = arith.shrsi %reduce_sum3A_146, %shift_right_arithmetic3A_147 : i32
    %mul3A_149 = arith.constant 128 : i32
    %mul3A_150 = arith.muli %shift_right_arithmetic3A_148, %mul3A_149 : i32
    %multiple_of3A_151 = tpu.assume_multiple %mul3A_150, 128 : i32
    %dma_start3A_152 = arith.constant 5 : i32
    %dma_start3A_153 = arith.constant 0 : i32
    %dma_start3A_154 = arith.constant 0 : i32
    %dma_start3A_155 = tpu.memref_slice %arg6[%dma_start3A_152, %dma_start3A_153, %dma_start3A_154] : memref<16x32x128xf32, #tpu.memory_space<vmem>> -> memref<1x32x128xf32, #tpu.memory_space<vmem>>
    %dma_start3A_156 = tpu.memref_squeeze %dma_start3A_155 : memref<1x32x128xf32, #tpu.memory_space<vmem>> -> memref<32x128xf32, #tpu.memory_space<vmem>>
    %dma_start3A_157 = arith.constant 0 : i32
    %dma_start3A_158 = tpu.memref_slice %arg2[%dma_start3A_157, %multiple_of3A_151] : memref<32x1000000xf32, #tpu.memory_space<hbm>> -> memref<32x128xf32, #tpu.memory_space<hbm>>
    %dma_start3A_159 = arith.constant 0 : i32
    %dma_start3A_160 = arith.constant 0 : i32
    %dma_start3A_161 = tpu.memref_slice %arg6[%dma_start3A_152, %dma_start3A_159, %dma_start3A_160] : memref<16x32x128xf32, #tpu.memory_space<vmem>> -> memref<1x32x128xf32, #tpu.memory_space<vmem>>
    %dma_start3A_162 = tpu.memref_squeeze %dma_start3A_161 : memref<1x32x128xf32, #tpu.memory_space<vmem>> -> memref<32x128xf32, #tpu.memory_space<vmem>>
    %dma_start3A_163 = arith.constant 0 : i32
    %dma_start3A_164 = tpu.memref_slice %arg2[%dma_start3A_163, %multiple_of3A_151] : memref<32x1000000xf32, #tpu.memory_space<hbm>> -> memref<32x128xf32, #tpu.memory_space<hbm>>
    tpu.enqueue_dma source(%dma_start3A_164 : memref<32x128xf32, #tpu.memory_space<hbm>>) target(%dma_start3A_162 : memref<32x128xf32, #tpu.memory_space<vmem>>) target_semaphore(%arg8 : memref<!tpu.dma_semaphore, #tpu.memory_space<semaphore_mem>>)
    %eq3A_165 = arith.constant 6 : i32
    %eq3A_166 = vector.broadcast %eq3A_165 : i32 to vector<16xi32>
    %eq3A_167 = arith.cmpi eq, %iota3A, %eq3A_166 : vector<16xi32>
    %jit3A_168 = arith.constant 0 : i32
    %broadcast_in_dim3A_169 = vector.broadcast %jit3A_168 : i32 to vector<16xi32>
    %select_n3A_170 = arith.select %eq3A_167, %get3A_3, %broadcast_in_dim3A_169 : vector<16xi1>, vector<16xi32>
    %reduce_sum3A_171 = arith.constant true
    %reduce_sum3A_172 = vector.broadcast %reduce_sum3A_171 : i1 to vector<16xi1>
    %reduce_sum3A_173 = tpu.scan <sum>, %select_n3A_170 masked %reduce_sum3A_172 : vector<16xi32>, vector<16xi1> -> vector<16xi32>
    %reduce_sum3A_174 = vector.extract %reduce_sum3A_173[15] : i32 from vector<16xi32>
    %shift_right_arithmetic3A_175 = arith.constant 7 : i32
    %shift_right_arithmetic3A_176 = arith.shrsi %reduce_sum3A_174, %shift_right_arithmetic3A_175 : i32
    %mul3A_177 = arith.constant 128 : i32
    %mul3A_178 = arith.muli %shift_right_arithmetic3A_176, %mul3A_177 : i32
    %multiple_of3A_179 = tpu.assume_multiple %mul3A_178, 128 : i32
    %dma_start3A_180 = arith.constant 6 : i32
    %dma_start3A_181 = arith.constant 0 : i32
    %dma_start3A_182 = arith.constant 0 : i32
    %dma_start3A_183 = tpu.memref_slice %arg6[%dma_start3A_180, %dma_start3A_181, %dma_start3A_182] : memref<16x32x128xf32, #tpu.memory_space<vmem>> -> memref<1x32x128xf32, #tpu.memory_space<vmem>>
    %dma_start3A_184 = tpu.memref_squeeze %dma_start3A_183 : memref<1x32x128xf32, #tpu.memory_space<vmem>> -> memref<32x128xf32, #tpu.memory_space<vmem>>
    %dma_start3A_185 = arith.constant 0 : i32
    %dma_start3A_186 = tpu.memref_slice %arg2[%dma_start3A_185, %multiple_of3A_179] : memref<32x1000000xf32, #tpu.memory_space<hbm>> -> memref<32x128xf32, #tpu.memory_space<hbm>>
    %dma_start3A_187 = arith.constant 0 : i32
    %dma_start3A_188 = arith.constant 0 : i32
    %dma_start3A_189 = tpu.memref_slice %arg6[%dma_start3A_180, %dma_start3A_187, %dma_start3A_188] : memref<16x32x128xf32, #tpu.memory_space<vmem>> -> memref<1x32x128xf32, #tpu.memory_space<vmem>>
    %dma_start3A_190 = tpu.memref_squeeze %dma_start3A_189 : memref<1x32x128xf32, #tpu.memory_space<vmem>> -> memref<32x128xf32, #tpu.memory_space<vmem>>
    %dma_start3A_191 = arith.constant 0 : i32
    %dma_start3A_192 = tpu.memref_slice %arg2[%dma_start3A_191, %multiple_of3A_179] : memref<32x1000000xf32, #tpu.memory_space<hbm>> -> memref<32x128xf32, #tpu.memory_space<hbm>>
    tpu.enqueue_dma source(%dma_start3A_192 : memref<32x128xf32, #tpu.memory_space<hbm>>) target(%dma_start3A_190 : memref<32x128xf32, #tpu.memory_space<vmem>>) target_semaphore(%arg8 : memref<!tpu.dma_semaphore, #tpu.memory_space<semaphore_mem>>)
    %eq3A_193 = arith.constant 7 : i32
    %eq3A_194 = vector.broadcast %eq3A_193 : i32 to vector<16xi32>
    %eq3A_195 = arith.cmpi eq, %iota3A, %eq3A_194 : vector<16xi32>
    %jit3A_196 = arith.constant 0 : i32
    %broadcast_in_dim3A_197 = vector.broadcast %jit3A_196 : i32 to vector<16xi32>
    %select_n3A_198 = arith.select %eq3A_195, %get3A_3, %broadcast_in_dim3A_197 : vector<16xi1>, vector<16xi32>
    %reduce_sum3A_199 = arith.constant true
    %reduce_sum3A_200 = vector.broadcast %reduce_sum3A_199 : i1 to vector<16xi1>
    %reduce_sum3A_201 = tpu.scan <sum>, %select_n3A_198 masked %reduce_sum3A_200 : vector<16xi32>, vector<16xi1> -> vector<16xi32>
    %reduce_sum3A_202 = vector.extract %reduce_sum3A_201[15] : i32 from vector<16xi32>
    %shift_right_arithmetic3A_203 = arith.constant 7 : i32
    %shift_right_arithmetic3A_204 = arith.shrsi %reduce_sum3A_202, %shift_right_arithmetic3A_203 : i32
    %mul3A_205 = arith.constant 128 : i32
    %mul3A_206 = arith.muli %shift_right_arithmetic3A_204, %mul3A_205 : i32
    %multiple_of3A_207 = tpu.assume_multiple %mul3A_206, 128 : i32
    %dma_start3A_208 = arith.constant 7 : i32
    %dma_start3A_209 = arith.constant 0 : i32
    %dma_start3A_210 = arith.constant 0 : i32
    %dma_start3A_211 = tpu.memref_slice %arg6[%dma_start3A_208, %dma_start3A_209, %dma_start3A_210] : memref<16x32x128xf32, #tpu.memory_space<vmem>> -> memref<1x32x128xf32, #tpu.memory_space<vmem>>
    %dma_start3A_212 = tpu.memref_squeeze %dma_start3A_211 : memref<1x32x128xf32, #tpu.memory_space<vmem>> -> memref<32x128xf32, #tpu.memory_space<vmem>>
    %dma_start3A_213 = arith.constant 0 : i32
    %dma_start3A_214 = tpu.memref_slice %arg2[%dma_start3A_213, %multiple_of3A_207] : memref<32x1000000xf32, #tpu.memory_space<hbm>> -> memref<32x128xf32, #tpu.memory_space<hbm>>
    %dma_start3A_215 = arith.constant 0 : i32
    %dma_start3A_216 = arith.constant 0 : i32
    %dma_start3A_217 = tpu.memref_slice %arg6[%dma_start3A_208, %dma_start3A_215, %dma_start3A_216] : memref<16x32x128xf32, #tpu.memory_space<vmem>> -> memref<1x32x128xf32, #tpu.memory_space<vmem>>
    %dma_start3A_218 = tpu.memref_squeeze %dma_start3A_217 : memref<1x32x128xf32, #tpu.memory_space<vmem>> -> memref<32x128xf32, #tpu.memory_space<vmem>>
    %dma_start3A_219 = arith.constant 0 : i32
    %dma_start3A_220 = tpu.memref_slice %arg2[%dma_start3A_219, %multiple_of3A_207] : memref<32x1000000xf32, #tpu.memory_space<hbm>> -> memref<32x128xf32, #tpu.memory_space<hbm>>
    tpu.enqueue_dma source(%dma_start3A_220 : memref<32x128xf32, #tpu.memory_space<hbm>>) target(%dma_start3A_218 : memref<32x128xf32, #tpu.memory_space<vmem>>) target_semaphore(%arg8 : memref<!tpu.dma_semaphore, #tpu.memory_space<semaphore_mem>>)
    %scan3A = arith.constant 0 : i32
    %scan3A_221 = arith.constant 0 : i32
    %scan3A_222 = arith.constant 32 : i32
    %scan3A_223 = arith.addi %scan3A_221, %scan3A_222 : i32
    %scan3A_224 = arith.constant 1 : i32
    scf.for %scan3A_226 = %scan3A_221 to %scan3A_223 step %scan3A_224  : i32 {
      %mul3A_227 = arith.constant 2 : i32
      %mul3A_228 = arith.muli %mul3A_227, %scan3A_226 : i32
      %add3A_229 = arith.constant 1 : i32
      %add3A_230 = arith.addi %mul3A_228, %add3A_229 : i32
      %lt3A = arith.constant 64 : i32
      %lt3A_231 = arith.cmpi slt, %add3A_230, %lt3A : i32
      %convert_element_type3A = arith.extui %lt3A_231 : i1 to i32
      %cond3A = arith.constant 0 : i32
      %cond3A_232 = arith.cmpi ne, %convert_element_type3A, %cond3A : i32
      scf.if %cond3A_232 {
        %mul3A_726 = arith.constant 2 : i32
        %mul3A_727 = arith.muli %mul3A_726, %scan3A_226 : i32
        %add3A_728 = arith.constant 1 : i32
        %add3A_729 = arith.addi %mul3A_727, %add3A_728 : i32
        %mul3A_730 = arith.constant 8 : i32
        %mul3A_731 = arith.muli %add3A_729, %mul3A_730 : i32
        %get3A_732 = arith.index_cast %mul3A_731 : i32 to index
        %get3A_733 = tpu.vector_load %arg5[%get3A_732] {strides = array<i32>} : memref<520xi32, #tpu.memory_space<vmem>>, vector<16xi32>,
        %eq3A_734 = arith.constant 0 : i32
        %eq3A_735 = vector.broadcast %eq3A_734 : i32 to vector<16xi32>
        %eq3A_736 = arith.cmpi eq, %iota3A, %eq3A_735 : vector<16xi32>
        %jit3A_737 = arith.constant 0 : i32
        %broadcast_in_dim3A_738 = vector.broadcast %jit3A_737 : i32 to vector<16xi32>
        %select_n3A_739 = arith.select %eq3A_736, %get3A_733, %broadcast_in_dim3A_738 : vector<16xi1>, vector<16xi32>
        %reduce_sum3A_740 = arith.constant true
        %reduce_sum3A_741 = vector.broadcast %reduce_sum3A_740 : i1 to vector<16xi1>
        %reduce_sum3A_742 = tpu.scan <sum>, %select_n3A_739 masked %reduce_sum3A_741 : vector<16xi32>, vector<16xi1> -> vector<16xi32>
        %reduce_sum3A_743 = vector.extract %reduce_sum3A_742[15] : i32 from vector<16xi32>
        %shift_right_arithmetic3A_744 = arith.constant 7 : i32
        %shift_right_arithmetic3A_745 = arith.shrsi %reduce_sum3A_743, %shift_right_arithmetic3A_744 : i32
        %mul3A_746 = arith.constant 128 : i32
        %mul3A_747 = arith.muli %shift_right_arithmetic3A_745, %mul3A_746 : i32
        %multiple_of3A_748 = tpu.assume_multiple %mul3A_747, 128 : i32
        %dma_start3A_749 = arith.constant 8 : i32
        %dma_start3A_750 = arith.constant 0 : i32
        %dma_start3A_751 = arith.constant 0 : i32
        %dma_start3A_752 = tpu.memref_slice %arg6[%dma_start3A_749, %dma_start3A_750, %dma_start3A_751] : memref<16x32x128xf32, #tpu.memory_space<vmem>> -> memref<1x32x128xf32, #tpu.memory_space<vmem>>
        %dma_start3A_753 = tpu.memref_squeeze %dma_start3A_752 : memref<1x32x128xf32, #tpu.memory_space<vmem>> -> memref<32x128xf32, #tpu.memory_space<vmem>>
        %dma_start3A_754 = arith.constant 0 : i32
        %dma_start3A_755 = tpu.memref_slice %arg2[%dma_start3A_754, %multiple_of3A_748] : memref<32x1000000xf32, #tpu.memory_space<hbm>> -> memref<32x128xf32, #tpu.memory_space<hbm>>
        %dma_start3A_756 = arith.constant 0 : i32
        %dma_start3A_757 = arith.constant 0 : i32
        %dma_start3A_758 = tpu.memref_slice %arg6[%dma_start3A_749, %dma_start3A_756, %dma_start3A_757] : memref<16x32x128xf32, #tpu.memory_space<vmem>> -> memref<1x32x128xf32, #tpu.memory_space<vmem>>
        %dma_start3A_759 = tpu.memref_squeeze %dma_start3A_758 : memref<1x32x128xf32, #tpu.memory_space<vmem>> -> memref<32x128xf32, #tpu.memory_space<vmem>>
        %dma_start3A_760 = arith.constant 0 : i32
        %dma_start3A_761 = tpu.memref_slice %arg2[%dma_start3A_760, %multiple_of3A_748] : memref<32x1000000xf32, #tpu.memory_space<hbm>> -> memref<32x128xf32, #tpu.memory_space<hbm>>
        tpu.enqueue_dma source(%dma_start3A_761 : memref<32x128xf32, #tpu.memory_space<hbm>>) target(%dma_start3A_759 : memref<32x128xf32, #tpu.memory_space<vmem>>) target_semaphore(%arg9 : memref<!tpu.dma_semaphore, #tpu.memory_space<semaphore_mem>>)
        %eq3A_762 = arith.constant 1 : i32
        %eq3A_763 = vector.broadcast %eq3A_762 : i32 to vector<16xi32>
        %eq3A_764 = arith.cmpi eq, %iota3A, %eq3A_763 : vector<16xi32>
        %jit3A_765 = arith.constant 0 : i32
        %broadcast_in_dim3A_766 = vector.broadcast %jit3A_765 : i32 to vector<16xi32>
        %select_n3A_767 = arith.select %eq3A_764, %get3A_733, %broadcast_in_dim3A_766 : vector<16xi1>, vector<16xi32>
        %reduce_sum3A_768 = arith.constant true
        %reduce_sum3A_769 = vector.broadcast %reduce_sum3A_768 : i1 to vector<16xi1>
        %reduce_sum3A_770 = tpu.scan <sum>, %select_n3A_767 masked %reduce_sum3A_769 : vector<16xi32>, vector<16xi1> -> vector<16xi32>
        %reduce_sum3A_771 = vector.extract %reduce_sum3A_770[15] : i32 from vector<16xi32>
        %shift_right_arithmetic3A_772 = arith.constant 7 : i32
        %shift_right_arithmetic3A_773 = arith.shrsi %reduce_sum3A_771, %shift_right_arithmetic3A_772 : i32
        %mul3A_774 = arith.constant 128 : i32
        %mul3A_775 = arith.muli %shift_right_arithmetic3A_773, %mul3A_774 : i32
        %multiple_of3A_776 = tpu.assume_multiple %mul3A_775, 128 : i32
        %dma_start3A_777 = arith.constant 9 : i32
        %dma_start3A_778 = arith.constant 0 : i32
        %dma_start3A_779 = arith.constant 0 : i32
        %dma_start3A_780 = tpu.memref_slice %arg6[%dma_start3A_777, %dma_start3A_778, %dma_start3A_779] : memref<16x32x128xf32, #tpu.memory_space<vmem>> -> memref<1x32x128xf32, #tpu.memory_space<vmem>>
        %dma_start3A_781 = tpu.memref_squeeze %dma_start3A_780 : memref<1x32x128xf32, #tpu.memory_space<vmem>> -> memref<32x128xf32, #tpu.memory_space<vmem>>
        %dma_start3A_782 = arith.constant 0 : i32
        %dma_start3A_783 = tpu.memref_slice %arg2[%dma_start3A_782, %multiple_of3A_776] : memref<32x1000000xf32, #tpu.memory_space<hbm>> -> memref<32x128xf32, #tpu.memory_space<hbm>>
        %dma_start3A_784 = arith.constant 0 : i32
        %dma_start3A_785 = arith.constant 0 : i32
        %dma_start3A_786 = tpu.memref_slice %arg6[%dma_start3A_777, %dma_start3A_784, %dma_start3A_785] : memref<16x32x128xf32, #tpu.memory_space<vmem>> -> memref<1x32x128xf32, #tpu.memory_space<vmem>>
        %dma_start3A_787 = tpu.memref_squeeze %dma_start3A_786 : memref<1x32x128xf32, #tpu.memory_space<vmem>> -> memref<32x128xf32, #tpu.memory_space<vmem>>
        %dma_start3A_788 = arith.constant 0 : i32
        %dma_start3A_789 = tpu.memref_slice %arg2[%dma_start3A_788, %multiple_of3A_776] : memref<32x1000000xf32, #tpu.memory_space<hbm>> -> memref<32x128xf32, #tpu.memory_space<hbm>>
        tpu.enqueue_dma source(%dma_start3A_789 : memref<32x128xf32, #tpu.memory_space<hbm>>) target(%dma_start3A_787 : memref<32x128xf32, #tpu.memory_space<vmem>>) target_semaphore(%arg9 : memref<!tpu.dma_semaphore, #tpu.memory_space<semaphore_mem>>)
        %eq3A_790 = arith.constant 2 : i32
        %eq3A_791 = vector.broadcast %eq3A_790 : i32 to vector<16xi32>
        %eq3A_792 = arith.cmpi eq, %iota3A, %eq3A_791 : vector<16xi32>
        %jit3A_793 = arith.constant 0 : i32
        %broadcast_in_dim3A_794 = vector.broadcast %jit3A_793 : i32 to vector<16xi32>
        %select_n3A_795 = arith.select %eq3A_792, %get3A_733, %broadcast_in_dim3A_794 : vector<16xi1>, vector<16xi32>
        %reduce_sum3A_796 = arith.constant true
        %reduce_sum3A_797 = vector.broadcast %reduce_sum3A_796 : i1 to vector<16xi1>
        %reduce_sum3A_798 = tpu.scan <sum>, %select_n3A_795 masked %reduce_sum3A_797 : vector<16xi32>, vector<16xi1> -> vector<16xi32>
        %reduce_sum3A_799 = vector.extract %reduce_sum3A_798[15] : i32 from vector<16xi32>
        %shift_right_arithmetic3A_800 = arith.constant 7 : i32
        %shift_right_arithmetic3A_801 = arith.shrsi %reduce_sum3A_799, %shift_right_arithmetic3A_800 : i32
        %mul3A_802 = arith.constant 128 : i32
        %mul3A_803 = arith.muli %shift_right_arithmetic3A_801, %mul3A_802 : i32
        %multiple_of3A_804 = tpu.assume_multiple %mul3A_803, 128 : i32
        %dma_start3A_805 = arith.constant 10 : i32
        %dma_start3A_806 = arith.constant 0 : i32
        %dma_start3A_807 = arith.constant 0 : i32
        %dma_start3A_808 = tpu.memref_slice %arg6[%dma_start3A_805, %dma_start3A_806, %dma_start3A_807] : memref<16x32x128xf32, #tpu.memory_space<vmem>> -> memref<1x32x128xf32, #tpu.memory_space<vmem>>
        %dma_start3A_809 = tpu.memref_squeeze %dma_start3A_808 : memref<1x32x128xf32, #tpu.memory_space<vmem>> -> memref<32x128xf32, #tpu.memory_space<vmem>>
        %dma_start3A_810 = arith.constant 0 : i32
        %dma_start3A_811 = tpu.memref_slice %arg2[%dma_start3A_810, %multiple_of3A_804] : memref<32x1000000xf32, #tpu.memory_space<hbm>> -> memref<32x128xf32, #tpu.memory_space<hbm>>
        %dma_start3A_812 = arith.constant 0 : i32
        %dma_start3A_813 = arith.constant 0 : i32
        %dma_start3A_814 = tpu.memref_slice %arg6[%dma_start3A_805, %dma_start3A_812, %dma_start3A_813] : memref<16x32x128xf32, #tpu.memory_space<vmem>> -> memref<1x32x128xf32, #tpu.memory_space<vmem>>
        %dma_start3A_815 = tpu.memref_squeeze %dma_start3A_814 : memref<1x32x128xf32, #tpu.memory_space<vmem>> -> memref<32x128xf32, #tpu.memory_space<vmem>>
        %dma_start3A_816 = arith.constant 0 : i32
        %dma_start3A_817 = tpu.memref_slice %arg2[%dma_start3A_816, %multiple_of3A_804] : memref<32x1000000xf32, #tpu.memory_space<hbm>> -> memref<32x128xf32, #tpu.memory_space<hbm>>
        tpu.enqueue_dma source(%dma_start3A_817 : memref<32x128xf32, #tpu.memory_space<hbm>>) target(%dma_start3A_815 : memref<32x128xf32, #tpu.memory_space<vmem>>) target_semaphore(%arg9 : memref<!tpu.dma_semaphore, #tpu.memory_space<semaphore_mem>>)
        %eq3A_818 = arith.constant 3 : i32
        %eq3A_819 = vector.broadcast %eq3A_818 : i32 to vector<16xi32>
        %eq3A_820 = arith.cmpi eq, %iota3A, %eq3A_819 : vector<16xi32>
        %jit3A_821 = arith.constant 0 : i32
        %broadcast_in_dim3A_822 = vector.broadcast %jit3A_821 : i32 to vector<16xi32>
        %select_n3A_823 = arith.select %eq3A_820, %get3A_733, %broadcast_in_dim3A_822 : vector<16xi1>, vector<16xi32>
        %reduce_sum3A_824 = arith.constant true
        %reduce_sum3A_825 = vector.broadcast %reduce_sum3A_824 : i1 to vector<16xi1>
        %reduce_sum3A_826 = tpu.scan <sum>, %select_n3A_823 masked %reduce_sum3A_825 : vector<16xi32>, vector<16xi1> -> vector<16xi32>
        %reduce_sum3A_827 = vector.extract %reduce_sum3A_826[15] : i32 from vector<16xi32>
        %shift_right_arithmetic3A_828 = arith.constant 7 : i32
        %shift_right_arithmetic3A_829 = arith.shrsi %reduce_sum3A_827, %shift_right_arithmetic3A_828 : i32
        %mul3A_830 = arith.constant 128 : i32
        %mul3A_831 = arith.muli %shift_right_arithmetic3A_829, %mul3A_830 : i32
        %multiple_of3A_832 = tpu.assume_multiple %mul3A_831, 128 : i32
        %dma_start3A_833 = arith.constant 11 : i32
        %dma_start3A_834 = arith.constant 0 : i32
        %dma_start3A_835 = arith.constant 0 : i32
        %dma_start3A_836 = tpu.memref_slice %arg6[%dma_start3A_833, %dma_start3A_834, %dma_start3A_835] : memref<16x32x128xf32, #tpu.memory_space<vmem>> -> memref<1x32x128xf32, #tpu.memory_space<vmem>>
        %dma_start3A_837 = tpu.memref_squeeze %dma_start3A_836 : memref<1x32x128xf32, #tpu.memory_space<vmem>> -> memref<32x128xf32, #tpu.memory_space<vmem>>
        %dma_start3A_838 = arith.constant 0 : i32
        %dma_start3A_839 = tpu.memref_slice %arg2[%dma_start3A_838, %multiple_of3A_832] : memref<32x1000000xf32, #tpu.memory_space<hbm>> -> memref<32x128xf32, #tpu.memory_space<hbm>>
        %dma_start3A_840 = arith.constant 0 : i32
        %dma_start3A_841 = arith.constant 0 : i32
        %dma_start3A_842 = tpu.memref_slice %arg6[%dma_start3A_833, %dma_start3A_840, %dma_start3A_841] : memref<16x32x128xf32, #tpu.memory_space<vmem>> -> memref<1x32x128xf32, #tpu.memory_space<vmem>>
        %dma_start3A_843 = tpu.memref_squeeze %dma_start3A_842 : memref<1x32x128xf32, #tpu.memory_space<vmem>> -> memref<32x128xf32, #tpu.memory_space<vmem>>
        %dma_start3A_844 = arith.constant 0 : i32
        %dma_start3A_845 = tpu.memref_slice %arg2[%dma_start3A_844, %multiple_of3A_832] : memref<32x1000000xf32, #tpu.memory_space<hbm>> -> memref<32x128xf32, #tpu.memory_space<hbm>>
        tpu.enqueue_dma source(%dma_start3A_845 : memref<32x128xf32, #tpu.memory_space<hbm>>) target(%dma_start3A_843 : memref<32x128xf32, #tpu.memory_space<vmem>>) target_semaphore(%arg9 : memref<!tpu.dma_semaphore, #tpu.memory_space<semaphore_mem>>)
        %eq3A_846 = arith.constant 4 : i32
        %eq3A_847 = vector.broadcast %eq3A_846 : i32 to vector<16xi32>
        %eq3A_848 = arith.cmpi eq, %iota3A, %eq3A_847 : vector<16xi32>
        %jit3A_849 = arith.constant 0 : i32
        %broadcast_in_dim3A_850 = vector.broadcast %jit3A_849 : i32 to vector<16xi32>
        %select_n3A_851 = arith.select %eq3A_848, %get3A_733, %broadcast_in_dim3A_850 : vector<16xi1>, vector<16xi32>
        %reduce_sum3A_852 = arith.constant true
        %reduce_sum3A_853 = vector.broadcast %reduce_sum3A_852 : i1 to vector<16xi1>
        %reduce_sum3A_854 = tpu.scan <sum>, %select_n3A_851 masked %reduce_sum3A_853 : vector<16xi32>, vector<16xi1> -> vector<16xi32>
        %reduce_sum3A_855 = vector.extract %reduce_sum3A_854[15] : i32 from vector<16xi32>
        %shift_right_arithmetic3A_856 = arith.constant 7 : i32
        %shift_right_arithmetic3A_857 = arith.shrsi %reduce_sum3A_855, %shift_right_arithmetic3A_856 : i32
        %mul3A_858 = arith.constant 128 : i32
        %mul3A_859 = arith.muli %shift_right_arithmetic3A_857, %mul3A_858 : i32
        %multiple_of3A_860 = tpu.assume_multiple %mul3A_859, 128 : i32
        %dma_start3A_861 = arith.constant 12 : i32
        %dma_start3A_862 = arith.constant 0 : i32
        %dma_start3A_863 = arith.constant 0 : i32
        %dma_start3A_864 = tpu.memref_slice %arg6[%dma_start3A_861, %dma_start3A_862, %dma_start3A_863] : memref<16x32x128xf32, #tpu.memory_space<vmem>> -> memref<1x32x128xf32, #tpu.memory_space<vmem>>
        %dma_start3A_865 = tpu.memref_squeeze %dma_start3A_864 : memref<1x32x128xf32, #tpu.memory_space<vmem>> -> memref<32x128xf32, #tpu.memory_space<vmem>>
        %dma_start3A_866 = arith.constant 0 : i32
        %dma_start3A_867 = tpu.memref_slice %arg2[%dma_start3A_866, %multiple_of3A_860] : memref<32x1000000xf32, #tpu.memory_space<hbm>> -> memref<32x128xf32, #tpu.memory_space<hbm>>
        %dma_start3A_868 = arith.constant 0 : i32
        %dma_start3A_869 = arith.constant 0 : i32
        %dma_start3A_870 = tpu.memref_slice %arg6[%dma_start3A_861, %dma_start3A_868, %dma_start3A_869] : memref<16x32x128xf32, #tpu.memory_space<vmem>> -> memref<1x32x128xf32, #tpu.memory_space<vmem>>
        %dma_start3A_871 = tpu.memref_squeeze %dma_start3A_870 : memref<1x32x128xf32, #tpu.memory_space<vmem>> -> memref<32x128xf32, #tpu.memory_space<vmem>>
        %dma_start3A_872 = arith.constant 0 : i32
        %dma_start3A_873 = tpu.memref_slice %arg2[%dma_start3A_872, %multiple_of3A_860] : memref<32x1000000xf32, #tpu.memory_space<hbm>> -> memref<32x128xf32, #tpu.memory_space<hbm>>
        tpu.enqueue_dma source(%dma_start3A_873 : memref<32x128xf32, #tpu.memory_space<hbm>>) target(%dma_start3A_871 : memref<32x128xf32, #tpu.memory_space<vmem>>) target_semaphore(%arg9 : memref<!tpu.dma_semaphore, #tpu.memory_space<semaphore_mem>>)
        %eq3A_874 = arith.constant 5 : i32
        %eq3A_875 = vector.broadcast %eq3A_874 : i32 to vector<16xi32>
        %eq3A_876 = arith.cmpi eq, %iota3A, %eq3A_875 : vector<16xi32>
        %jit3A_877 = arith.constant 0 : i32
        %broadcast_in_dim3A_878 = vector.broadcast %jit3A_877 : i32 to vector<16xi32>
        %select_n3A_879 = arith.select %eq3A_876, %get3A_733, %broadcast_in_dim3A_878 : vector<16xi1>, vector<16xi32>
        %reduce_sum3A_880 = arith.constant true
        %reduce_sum3A_881 = vector.broadcast %reduce_sum3A_880 : i1 to vector<16xi1>
        %reduce_sum3A_882 = tpu.scan <sum>, %select_n3A_879 masked %reduce_sum3A_881 : vector<16xi32>, vector<16xi1> -> vector<16xi32>
        %reduce_sum3A_883 = vector.extract %reduce_sum3A_882[15] : i32 from vector<16xi32>
        %shift_right_arithmetic3A_884 = arith.constant 7 : i32
        %shift_right_arithmetic3A_885 = arith.shrsi %reduce_sum3A_883, %shift_right_arithmetic3A_884 : i32
        %mul3A_886 = arith.constant 128 : i32
        %mul3A_887 = arith.muli %shift_right_arithmetic3A_885, %mul3A_886 : i32
        %multiple_of3A_888 = tpu.assume_multiple %mul3A_887, 128 : i32
        %dma_start3A_889 = arith.constant 13 : i32
        %dma_start3A_890 = arith.constant 0 : i32
        %dma_start3A_891 = arith.constant 0 : i32
        %dma_start3A_892 = tpu.memref_slice %arg6[%dma_start3A_889, %dma_start3A_890, %dma_start3A_891] : memref<16x32x128xf32, #tpu.memory_space<vmem>> -> memref<1x32x128xf32, #tpu.memory_space<vmem>>
        %dma_start3A_893 = tpu.memref_squeeze %dma_start3A_892 : memref<1x32x128xf32, #tpu.memory_space<vmem>> -> memref<32x128xf32, #tpu.memory_space<vmem>>
        %dma_start3A_894 = arith.constant 0 : i32
        %dma_start3A_895 = tpu.memref_slice %arg2[%dma_start3A_894, %multiple_of3A_888] : memref<32x1000000xf32, #tpu.memory_space<hbm>> -> memref<32x128xf32, #tpu.memory_space<hbm>>
        %dma_start3A_896 = arith.constant 0 : i32
        %dma_start3A_897 = arith.constant 0 : i32
        %dma_start3A_898 = tpu.memref_slice %arg6[%dma_start3A_889, %dma_start3A_896, %dma_start3A_897] : memref<16x32x128xf32, #tpu.memory_space<vmem>> -> memref<1x32x128xf32, #tpu.memory_space<vmem>>
        %dma_start3A_899 = tpu.memref_squeeze %dma_start3A_898 : memref<1x32x128xf32, #tpu.memory_space<vmem>> -> memref<32x128xf32, #tpu.memory_space<vmem>>
        %dma_start3A_900 = arith.constant 0 : i32
        %dma_start3A_901 = tpu.memref_slice %arg2[%dma_start3A_900, %multiple_of3A_888] : memref<32x1000000xf32, #tpu.memory_space<hbm>> -> memref<32x128xf32, #tpu.memory_space<hbm>>
        tpu.enqueue_dma source(%dma_start3A_901 : memref<32x128xf32, #tpu.memory_space<hbm>>) target(%dma_start3A_899 : memref<32x128xf32, #tpu.memory_space<vmem>>) target_semaphore(%arg9 : memref<!tpu.dma_semaphore, #tpu.memory_space<semaphore_mem>>)
        %eq3A_902 = arith.constant 6 : i32
        %eq3A_903 = vector.broadcast %eq3A_902 : i32 to vector<16xi32>
        %eq3A_904 = arith.cmpi eq, %iota3A, %eq3A_903 : vector<16xi32>
        %jit3A_905 = arith.constant 0 : i32
        %broadcast_in_dim3A_906 = vector.broadcast %jit3A_905 : i32 to vector<16xi32>
        %select_n3A_907 = arith.select %eq3A_904, %get3A_733, %broadcast_in_dim3A_906 : vector<16xi1>, vector<16xi32>
        %reduce_sum3A_908 = arith.constant true
        %reduce_sum3A_909 = vector.broadcast %reduce_sum3A_908 : i1 to vector<16xi1>
        %reduce_sum3A_910 = tpu.scan <sum>, %select_n3A_907 masked %reduce_sum3A_909 : vector<16xi32>, vector<16xi1> -> vector<16xi32>
        %reduce_sum3A_911 = vector.extract %reduce_sum3A_910[15] : i32 from vector<16xi32>
        %shift_right_arithmetic3A_912 = arith.constant 7 : i32
        %shift_right_arithmetic3A_913 = arith.shrsi %reduce_sum3A_911, %shift_right_arithmetic3A_912 : i32
        %mul3A_914 = arith.constant 128 : i32
        %mul3A_915 = arith.muli %shift_right_arithmetic3A_913, %mul3A_914 : i32
        %multiple_of3A_916 = tpu.assume_multiple %mul3A_915, 128 : i32
        %dma_start3A_917 = arith.constant 14 : i32
        %dma_start3A_918 = arith.constant 0 : i32
        %dma_start3A_919 = arith.constant 0 : i32
        %dma_start3A_920 = tpu.memref_slice %arg6[%dma_start3A_917, %dma_start3A_918, %dma_start3A_919] : memref<16x32x128xf32, #tpu.memory_space<vmem>> -> memref<1x32x128xf32, #tpu.memory_space<vmem>>
        %dma_start3A_921 = tpu.memref_squeeze %dma_start3A_920 : memref<1x32x128xf32, #tpu.memory_space<vmem>> -> memref<32x128xf32, #tpu.memory_space<vmem>>
        %dma_start3A_922 = arith.constant 0 : i32
        %dma_start3A_923 = tpu.memref_slice %arg2[%dma_start3A_922, %multiple_of3A_916] : memref<32x1000000xf32, #tpu.memory_space<hbm>> -> memref<32x128xf32, #tpu.memory_space<hbm>>
        %dma_start3A_924 = arith.constant 0 : i32
        %dma_start3A_925 = arith.constant 0 : i32
        %dma_start3A_926 = tpu.memref_slice %arg6[%dma_start3A_917, %dma_start3A_924, %dma_start3A_925] : memref<16x32x128xf32, #tpu.memory_space<vmem>> -> memref<1x32x128xf32, #tpu.memory_space<vmem>>
        %dma_start3A_927 = tpu.memref_squeeze %dma_start3A_926 : memref<1x32x128xf32, #tpu.memory_space<vmem>> -> memref<32x128xf32, #tpu.memory_space<vmem>>
        %dma_start3A_928 = arith.constant 0 : i32
        %dma_start3A_929 = tpu.memref_slice %arg2[%dma_start3A_928, %multiple_of3A_916] : memref<32x1000000xf32, #tpu.memory_space<hbm>> -> memref<32x128xf32, #tpu.memory_space<hbm>>
        tpu.enqueue_dma source(%dma_start3A_929 : memref<32x128xf32, #tpu.memory_space<hbm>>) target(%dma_start3A_927 : memref<32x128xf32, #tpu.memory_space<vmem>>) target_semaphore(%arg9 : memref<!tpu.dma_semaphore, #tpu.memory_space<semaphore_mem>>)
        %eq3A_930 = arith.constant 7 : i32
        %eq3A_931 = vector.broadcast %eq3A_930 : i32 to vector<16xi32>
        %eq3A_932 = arith.cmpi eq, %iota3A, %eq3A_931 : vector<16xi32>
        %jit3A_933 = arith.constant 0 : i32
        %broadcast_in_dim3A_934 = vector.broadcast %jit3A_933 : i32 to vector<16xi32>
        %select_n3A_935 = arith.select %eq3A_932, %get3A_733, %broadcast_in_dim3A_934 : vector<16xi1>, vector<16xi32>
        %reduce_sum3A_936 = arith.constant true
        %reduce_sum3A_937 = vector.broadcast %reduce_sum3A_936 : i1 to vector<16xi1>
        %reduce_sum3A_938 = tpu.scan <sum>, %select_n3A_935 masked %reduce_sum3A_937 : vector<16xi32>, vector<16xi1> -> vector<16xi32>
        %reduce_sum3A_939 = vector.extract %reduce_sum3A_938[15] : i32 from vector<16xi32>
        %shift_right_arithmetic3A_940 = arith.constant 7 : i32
        %shift_right_arithmetic3A_941 = arith.shrsi %reduce_sum3A_939, %shift_right_arithmetic3A_940 : i32
        %mul3A_942 = arith.constant 128 : i32
        %mul3A_943 = arith.muli %shift_right_arithmetic3A_941, %mul3A_942 : i32
        %multiple_of3A_944 = tpu.assume_multiple %mul3A_943, 128 : i32
        %dma_start3A_945 = arith.constant 15 : i32
        %dma_start3A_946 = arith.constant 0 : i32
        %dma_start3A_947 = arith.constant 0 : i32
        %dma_start3A_948 = tpu.memref_slice %arg6[%dma_start3A_945, %dma_start3A_946, %dma_start3A_947] : memref<16x32x128xf32, #tpu.memory_space<vmem>> -> memref<1x32x128xf32, #tpu.memory_space<vmem>>
        %dma_start3A_949 = tpu.memref_squeeze %dma_start3A_948 : memref<1x32x128xf32, #tpu.memory_space<vmem>> -> memref<32x128xf32, #tpu.memory_space<vmem>>
        %dma_start3A_950 = arith.constant 0 : i32
        %dma_start3A_951 = tpu.memref_slice %arg2[%dma_start3A_950, %multiple_of3A_944] : memref<32x1000000xf32, #tpu.memory_space<hbm>> -> memref<32x128xf32, #tpu.memory_space<hbm>>
        %dma_start3A_952 = arith.constant 0 : i32
        %dma_start3A_953 = arith.constant 0 : i32
        %dma_start3A_954 = tpu.memref_slice %arg6[%dma_start3A_945, %dma_start3A_952, %dma_start3A_953] : memref<16x32x128xf32, #tpu.memory_space<vmem>> -> memref<1x32x128xf32, #tpu.memory_space<vmem>>
        %dma_start3A_955 = tpu.memref_squeeze %dma_start3A_954 : memref<1x32x128xf32, #tpu.memory_space<vmem>> -> memref<32x128xf32, #tpu.memory_space<vmem>>
        %dma_start3A_956 = arith.constant 0 : i32
        %dma_start3A_957 = tpu.memref_slice %arg2[%dma_start3A_956, %multiple_of3A_944] : memref<32x1000000xf32, #tpu.memory_space<hbm>> -> memref<32x128xf32, #tpu.memory_space<hbm>>
        tpu.enqueue_dma source(%dma_start3A_957 : memref<32x128xf32, #tpu.memory_space<hbm>>) target(%dma_start3A_955 : memref<32x128xf32, #tpu.memory_space<vmem>>) target_semaphore(%arg9 : memref<!tpu.dma_semaphore, #tpu.memory_space<semaphore_mem>>)
      } else {
      }
      %dma_wait3A = arith.constant 0 : i32
      %dma_wait3A_233 = arith.constant 0 : i32
      %dma_wait3A_234 = arith.constant 0 : i32
      %dma_wait3A_235 = tpu.memref_slice %arg6[%dma_wait3A, %dma_wait3A_233, %dma_wait3A_234] : memref<16x32x128xf32, #tpu.memory_space<vmem>> -> memref<1x32x128xf32, #tpu.memory_space<vmem>>
      %dma_wait3A_236 = tpu.memref_squeeze %dma_wait3A_235 : memref<1x32x128xf32, #tpu.memory_space<vmem>> -> memref<32x128xf32, #tpu.memory_space<vmem>>
      %dma_wait3A_237 = arith.constant 0 : i32
      %dma_wait3A_238 = arith.constant 0 : i32
      %dma_wait3A_239 = tpu.memref_slice %arg2[%dma_wait3A_237, %dma_wait3A_238] : memref<32x1000000xf32, #tpu.memory_space<hbm>> -> memref<32x128xf32, #tpu.memory_space<hbm>>
      %dma_wait3A_240 = arith.constant 0 : i32
      %dma_wait3A_241 = arith.constant 0 : i32
      %dma_wait3A_242 = tpu.memref_slice %arg6[%dma_wait3A, %dma_wait3A_240, %dma_wait3A_241] : memref<16x32x128xf32, #tpu.memory_space<vmem>> -> memref<1x32x128xf32, #tpu.memory_space<vmem>>
      %dma_wait3A_243 = tpu.memref_squeeze %dma_wait3A_242 : memref<1x32x128xf32, #tpu.memory_space<vmem>> -> memref<32x128xf32, #tpu.memory_space<vmem>>
      %dma_wait3A_244 = arith.constant 0 : i32
      %dma_wait3A_245 = arith.constant 0 : i32
      %dma_wait3A_246 = tpu.memref_slice %arg2[%dma_wait3A_244, %dma_wait3A_245] : memref<32x1000000xf32, #tpu.memory_space<hbm>> -> memref<32x128xf32, #tpu.memory_space<hbm>>
      tpu.wait_dma2 semaphore(%arg8 : memref<!tpu.dma_semaphore, #tpu.memory_space<semaphore_mem>>) src(%dma_wait3A_246 : memref<32x128xf32, #tpu.memory_space<hbm>>) dst(%dma_wait3A_243 : memref<32x128xf32, #tpu.memory_space<vmem>>)
      %dma_wait3A_247 = arith.constant 1 : i32
      %dma_wait3A_248 = arith.constant 0 : i32
      %dma_wait3A_249 = arith.constant 0 : i32
      %dma_wait3A_250 = tpu.memref_slice %arg6[%dma_wait3A_247, %dma_wait3A_248, %dma_wait3A_249] : memref<16x32x128xf32, #tpu.memory_space<vmem>> -> memref<1x32x128xf32, #tpu.memory_space<vmem>>
      %dma_wait3A_251 = tpu.memref_squeeze %dma_wait3A_250 : memref<1x32x128xf32, #tpu.memory_space<vmem>> -> memref<32x128xf32, #tpu.memory_space<vmem>>
      %dma_wait3A_252 = arith.constant 0 : i32
      %dma_wait3A_253 = arith.constant 0 : i32
      %dma_wait3A_254 = tpu.memref_slice %arg2[%dma_wait3A_252, %dma_wait3A_253] : memref<32x1000000xf32, #tpu.memory_space<hbm>> -> memref<32x128xf32, #tpu.memory_space<hbm>>
      %dma_wait3A_255 = arith.constant 0 : i32
      %dma_wait3A_256 = arith.constant 0 : i32
      %dma_wait3A_257 = tpu.memref_slice %arg6[%dma_wait3A_247, %dma_wait3A_255, %dma_wait3A_256] : memref<16x32x128xf32, #tpu.memory_space<vmem>> -> memref<1x32x128xf32, #tpu.memory_space<vmem>>
      %dma_wait3A_258 = tpu.memref_squeeze %dma_wait3A_257 : memref<1x32x128xf32, #tpu.memory_space<vmem>> -> memref<32x128xf32, #tpu.memory_space<vmem>>
      %dma_wait3A_259 = arith.constant 0 : i32
      %dma_wait3A_260 = arith.constant 0 : i32
      %dma_wait3A_261 = tpu.memref_slice %arg2[%dma_wait3A_259, %dma_wait3A_260] : memref<32x1000000xf32, #tpu.memory_space<hbm>> -> memref<32x128xf32, #tpu.memory_space<hbm>>
      tpu.wait_dma2 semaphore(%arg8 : memref<!tpu.dma_semaphore, #tpu.memory_space<semaphore_mem>>) src(%dma_wait3A_261 : memref<32x128xf32, #tpu.memory_space<hbm>>) dst(%dma_wait3A_258 : memref<32x128xf32, #tpu.memory_space<vmem>>)
      %dma_wait3A_262 = arith.constant 2 : i32
      %dma_wait3A_263 = arith.constant 0 : i32
      %dma_wait3A_264 = arith.constant 0 : i32
      %dma_wait3A_265 = tpu.memref_slice %arg6[%dma_wait3A_262, %dma_wait3A_263, %dma_wait3A_264] : memref<16x32x128xf32, #tpu.memory_space<vmem>> -> memref<1x32x128xf32, #tpu.memory_space<vmem>>
      %dma_wait3A_266 = tpu.memref_squeeze %dma_wait3A_265 : memref<1x32x128xf32, #tpu.memory_space<vmem>> -> memref<32x128xf32, #tpu.memory_space<vmem>>
      %dma_wait3A_267 = arith.constant 0 : i32
      %dma_wait3A_268 = arith.constant 0 : i32
      %dma_wait3A_269 = tpu.memref_slice %arg2[%dma_wait3A_267, %dma_wait3A_268] : memref<32x1000000xf32, #tpu.memory_space<hbm>> -> memref<32x128xf32, #tpu.memory_space<hbm>>
      %dma_wait3A_270 = arith.constant 0 : i32
      %dma_wait3A_271 = arith.constant 0 : i32
      %dma_wait3A_272 = tpu.memref_slice %arg6[%dma_wait3A_262, %dma_wait3A_270, %dma_wait3A_271] : memref<16x32x128xf32, #tpu.memory_space<vmem>> -> memref<1x32x128xf32, #tpu.memory_space<vmem>>
      %dma_wait3A_273 = tpu.memref_squeeze %dma_wait3A_272 : memref<1x32x128xf32, #tpu.memory_space<vmem>> -> memref<32x128xf32, #tpu.memory_space<vmem>>
      %dma_wait3A_274 = arith.constant 0 : i32
      %dma_wait3A_275 = arith.constant 0 : i32
      %dma_wait3A_276 = tpu.memref_slice %arg2[%dma_wait3A_274, %dma_wait3A_275] : memref<32x1000000xf32, #tpu.memory_space<hbm>> -> memref<32x128xf32, #tpu.memory_space<hbm>>
      tpu.wait_dma2 semaphore(%arg8 : memref<!tpu.dma_semaphore, #tpu.memory_space<semaphore_mem>>) src(%dma_wait3A_276 : memref<32x128xf32, #tpu.memory_space<hbm>>) dst(%dma_wait3A_273 : memref<32x128xf32, #tpu.memory_space<vmem>>)
      %dma_wait3A_277 = arith.constant 3 : i32
      %dma_wait3A_278 = arith.constant 0 : i32
      %dma_wait3A_279 = arith.constant 0 : i32
      %dma_wait3A_280 = tpu.memref_slice %arg6[%dma_wait3A_277, %dma_wait3A_278, %dma_wait3A_279] : memref<16x32x128xf32, #tpu.memory_space<vmem>> -> memref<1x32x128xf32, #tpu.memory_space<vmem>>
      %dma_wait3A_281 = tpu.memref_squeeze %dma_wait3A_280 : memref<1x32x128xf32, #tpu.memory_space<vmem>> -> memref<32x128xf32, #tpu.memory_space<vmem>>
      %dma_wait3A_282 = arith.constant 0 : i32
      %dma_wait3A_283 = arith.constant 0 : i32
      %dma_wait3A_284 = tpu.memref_slice %arg2[%dma_wait3A_282, %dma_wait3A_283] : memref<32x1000000xf32, #tpu.memory_space<hbm>> -> memref<32x128xf32, #tpu.memory_space<hbm>>
      %dma_wait3A_285 = arith.constant 0 : i32
      %dma_wait3A_286 = arith.constant 0 : i32
      %dma_wait3A_287 = tpu.memref_slice %arg6[%dma_wait3A_277, %dma_wait3A_285, %dma_wait3A_286] : memref<16x32x128xf32, #tpu.memory_space<vmem>> -> memref<1x32x128xf32, #tpu.memory_space<vmem>>
      %dma_wait3A_288 = tpu.memref_squeeze %dma_wait3A_287 : memref<1x32x128xf32, #tpu.memory_space<vmem>> -> memref<32x128xf32, #tpu.memory_space<vmem>>
      %dma_wait3A_289 = arith.constant 0 : i32
      %dma_wait3A_290 = arith.constant 0 : i32
      %dma_wait3A_291 = tpu.memref_slice %arg2[%dma_wait3A_289, %dma_wait3A_290] : memref<32x1000000xf32, #tpu.memory_space<hbm>> -> memref<32x128xf32, #tpu.memory_space<hbm>>
      tpu.wait_dma2 semaphore(%arg8 : memref<!tpu.dma_semaphore, #tpu.memory_space<semaphore_mem>>) src(%dma_wait3A_291 : memref<32x128xf32, #tpu.memory_space<hbm>>) dst(%dma_wait3A_288 : memref<32x128xf32, #tpu.memory_space<vmem>>)
      %dma_wait3A_292 = arith.constant 4 : i32
      %dma_wait3A_293 = arith.constant 0 : i32
      %dma_wait3A_294 = arith.constant 0 : i32
      %dma_wait3A_295 = tpu.memref_slice %arg6[%dma_wait3A_292, %dma_wait3A_293, %dma_wait3A_294] : memref<16x32x128xf32, #tpu.memory_space<vmem>> -> memref<1x32x128xf32, #tpu.memory_space<vmem>>
      %dma_wait3A_296 = tpu.memref_squeeze %dma_wait3A_295 : memref<1x32x128xf32, #tpu.memory_space<vmem>> -> memref<32x128xf32, #tpu.memory_space<vmem>>
      %dma_wait3A_297 = arith.constant 0 : i32
      %dma_wait3A_298 = arith.constant 0 : i32
      %dma_wait3A_299 = tpu.memref_slice %arg2[%dma_wait3A_297, %dma_wait3A_298] : memref<32x1000000xf32, #tpu.memory_space<hbm>> -> memref<32x128xf32, #tpu.memory_space<hbm>>
      %dma_wait3A_300 = arith.constant 0 : i32
      %dma_wait3A_301 = arith.constant 0 : i32
      %dma_wait3A_302 = tpu.memref_slice %arg6[%dma_wait3A_292, %dma_wait3A_300, %dma_wait3A_301] : memref<16x32x128xf32, #tpu.memory_space<vmem>> -> memref<1x32x128xf32, #tpu.memory_space<vmem>>
      %dma_wait3A_303 = tpu.memref_squeeze %dma_wait3A_302 : memref<1x32x128xf32, #tpu.memory_space<vmem>> -> memref<32x128xf32, #tpu.memory_space<vmem>>
      %dma_wait3A_304 = arith.constant 0 : i32
      %dma_wait3A_305 = arith.constant 0 : i32
      %dma_wait3A_306 = tpu.memref_slice %arg2[%dma_wait3A_304, %dma_wait3A_305] : memref<32x1000000xf32, #tpu.memory_space<hbm>> -> memref<32x128xf32, #tpu.memory_space<hbm>>
      tpu.wait_dma2 semaphore(%arg8 : memref<!tpu.dma_semaphore, #tpu.memory_space<semaphore_mem>>) src(%dma_wait3A_306 : memref<32x128xf32, #tpu.memory_space<hbm>>) dst(%dma_wait3A_303 : memref<32x128xf32, #tpu.memory_space<vmem>>)
      %dma_wait3A_307 = arith.constant 5 : i32
      %dma_wait3A_308 = arith.constant 0 : i32
      %dma_wait3A_309 = arith.constant 0 : i32
      %dma_wait3A_310 = tpu.memref_slice %arg6[%dma_wait3A_307, %dma_wait3A_308, %dma_wait3A_309] : memref<16x32x128xf32, #tpu.memory_space<vmem>> -> memref<1x32x128xf32, #tpu.memory_space<vmem>>
      %dma_wait3A_311 = tpu.memref_squeeze %dma_wait3A_310 : memref<1x32x128xf32, #tpu.memory_space<vmem>> -> memref<32x128xf32, #tpu.memory_space<vmem>>
      %dma_wait3A_312 = arith.constant 0 : i32
      %dma_wait3A_313 = arith.constant 0 : i32
      %dma_wait3A_314 = tpu.memref_slice %arg2[%dma_wait3A_312, %dma_wait3A_313] : memref<32x1000000xf32, #tpu.memory_space<hbm>> -> memref<32x128xf32, #tpu.memory_space<hbm>>
      %dma_wait3A_315 = arith.constant 0 : i32
      %dma_wait3A_316 = arith.constant 0 : i32
      %dma_wait3A_317 = tpu.memref_slice %arg6[%dma_wait3A_307, %dma_wait3A_315, %dma_wait3A_316] : memref<16x32x128xf32, #tpu.memory_space<vmem>> -> memref<1x32x128xf32, #tpu.memory_space<vmem>>
      %dma_wait3A_318 = tpu.memref_squeeze %dma_wait3A_317 : memref<1x32x128xf32, #tpu.memory_space<vmem>> -> memref<32x128xf32, #tpu.memory_space<vmem>>
      %dma_wait3A_319 = arith.constant 0 : i32
      %dma_wait3A_320 = arith.constant 0 : i32
      %dma_wait3A_321 = tpu.memref_slice %arg2[%dma_wait3A_319, %dma_wait3A_320] : memref<32x1000000xf32, #tpu.memory_space<hbm>> -> memref<32x128xf32, #tpu.memory_space<hbm>>
      tpu.wait_dma2 semaphore(%arg8 : memref<!tpu.dma_semaphore, #tpu.memory_space<semaphore_mem>>) src(%dma_wait3A_321 : memref<32x128xf32, #tpu.memory_space<hbm>>) dst(%dma_wait3A_318 : memref<32x128xf32, #tpu.memory_space<vmem>>)
      %dma_wait3A_322 = arith.constant 6 : i32
      %dma_wait3A_323 = arith.constant 0 : i32
      %dma_wait3A_324 = arith.constant 0 : i32
      %dma_wait3A_325 = tpu.memref_slice %arg6[%dma_wait3A_322, %dma_wait3A_323, %dma_wait3A_324] : memref<16x32x128xf32, #tpu.memory_space<vmem>> -> memref<1x32x128xf32, #tpu.memory_space<vmem>>
      %dma_wait3A_326 = tpu.memref_squeeze %dma_wait3A_325 : memref<1x32x128xf32, #tpu.memory_space<vmem>> -> memref<32x128xf32, #tpu.memory_space<vmem>>
      %dma_wait3A_327 = arith.constant 0 : i32
      %dma_wait3A_328 = arith.constant 0 : i32
      %dma_wait3A_329 = tpu.memref_slice %arg2[%dma_wait3A_327, %dma_wait3A_328] : memref<32x1000000xf32, #tpu.memory_space<hbm>> -> memref<32x128xf32, #tpu.memory_space<hbm>>
      %dma_wait3A_330 = arith.constant 0 : i32
      %dma_wait3A_331 = arith.constant 0 : i32
      %dma_wait3A_332 = tpu.memref_slice %arg6[%dma_wait3A_322, %dma_wait3A_330, %dma_wait3A_331] : memref<16x32x128xf32, #tpu.memory_space<vmem>> -> memref<1x32x128xf32, #tpu.memory_space<vmem>>
      %dma_wait3A_333 = tpu.memref_squeeze %dma_wait3A_332 : memref<1x32x128xf32, #tpu.memory_space<vmem>> -> memref<32x128xf32, #tpu.memory_space<vmem>>
      %dma_wait3A_334 = arith.constant 0 : i32
      %dma_wait3A_335 = arith.constant 0 : i32
      %dma_wait3A_336 = tpu.memref_slice %arg2[%dma_wait3A_334, %dma_wait3A_335] : memref<32x1000000xf32, #tpu.memory_space<hbm>> -> memref<32x128xf32, #tpu.memory_space<hbm>>
      tpu.wait_dma2 semaphore(%arg8 : memref<!tpu.dma_semaphore, #tpu.memory_space<semaphore_mem>>) src(%dma_wait3A_336 : memref<32x128xf32, #tpu.memory_space<hbm>>) dst(%dma_wait3A_333 : memref<32x128xf32, #tpu.memory_space<vmem>>)
      %dma_wait3A_337 = arith.constant 7 : i32
      %dma_wait3A_338 = arith.constant 0 : i32
      %dma_wait3A_339 = arith.constant 0 : i32
      %dma_wait3A_340 = tpu.memref_slice %arg6[%dma_wait3A_337, %dma_wait3A_338, %dma_wait3A_339] : memref<16x32x128xf32, #tpu.memory_space<vmem>> -> memref<1x32x128xf32, #tpu.memory_space<vmem>>
      %dma_wait3A_341 = tpu.memref_squeeze %dma_wait3A_340 : memref<1x32x128xf32, #tpu.memory_space<vmem>> -> memref<32x128xf32, #tpu.memory_space<vmem>>
      %dma_wait3A_342 = arith.constant 0 : i32
      %dma_wait3A_343 = arith.constant 0 : i32
      %dma_wait3A_344 = tpu.memref_slice %arg2[%dma_wait3A_342, %dma_wait3A_343] : memref<32x1000000xf32, #tpu.memory_space<hbm>> -> memref<32x128xf32, #tpu.memory_space<hbm>>
      %dma_wait3A_345 = arith.constant 0 : i32
      %dma_wait3A_346 = arith.constant 0 : i32
      %dma_wait3A_347 = tpu.memref_slice %arg6[%dma_wait3A_337, %dma_wait3A_345, %dma_wait3A_346] : memref<16x32x128xf32, #tpu.memory_space<vmem>> -> memref<1x32x128xf32, #tpu.memory_space<vmem>>
      %dma_wait3A_348 = tpu.memref_squeeze %dma_wait3A_347 : memref<1x32x128xf32, #tpu.memory_space<vmem>> -> memref<32x128xf32, #tpu.memory_space<vmem>>
      %dma_wait3A_349 = arith.constant 0 : i32
      %dma_wait3A_350 = arith.constant 0 : i32
      %dma_wait3A_351 = tpu.memref_slice %arg2[%dma_wait3A_349, %dma_wait3A_350] : memref<32x1000000xf32, #tpu.memory_space<hbm>> -> memref<32x128xf32, #tpu.memory_space<hbm>>
      tpu.wait_dma2 semaphore(%arg8 : memref<!tpu.dma_semaphore, #tpu.memory_space<semaphore_mem>>) src(%dma_wait3A_351 : memref<32x128xf32, #tpu.memory_space<hbm>>) dst(%dma_wait3A_348 : memref<32x128xf32, #tpu.memory_space<vmem>>)
      %mul3A_352 = arith.constant 2 : i32
      %mul3A_353 = arith.muli %mul3A_352, %scan3A_226 : i32
      %mul3A_354 = arith.constant 8 : i32
      %mul3A_355 = arith.muli %mul3A_353, %mul3A_354 : i32
      %get3A_356 = arith.index_cast %mul3A_355 : i32 to index
      %get3A_357 = tpu.vector_load %arg5[%get3A_356] {strides = array<i32>} : memref<520xi32, #tpu.memory_space<vmem>>, vector<16xi32>,
      %eq3A_358 = arith.constant 0 : i32
      %eq3A_359 = vector.broadcast %eq3A_358 : i32 to vector<16xi32>
      %eq3A_360 = arith.cmpi eq, %iota3A, %eq3A_359 : vector<16xi32>
      %jit3A_361 = arith.constant 0 : i32
      %broadcast_in_dim3A_362 = vector.broadcast %jit3A_361 : i32 to vector<16xi32>
      %select_n3A_363 = arith.select %eq3A_360, %get3A_357, %broadcast_in_dim3A_362 : vector<16xi1>, vector<16xi32>
      %reduce_sum3A_364 = arith.constant true
      %reduce_sum3A_365 = vector.broadcast %reduce_sum3A_364 : i1 to vector<16xi1>
      %reduce_sum3A_366 = tpu.scan <sum>, %select_n3A_363 masked %reduce_sum3A_365 : vector<16xi32>, vector<16xi1> -> vector<16xi32>
      %reduce_sum3A_367 = vector.extract %reduce_sum3A_366[15] : i32 from vector<16xi32>
      %and3A = arith.constant 127 : i32
      %and3A_368 = arith.andi %reduce_sum3A_367, %and3A : i32
      %mul3A_369 = arith.constant 0 : i32
      %mul3A_370 = vector.broadcast %mul3A_369 : i32 to vector<16xi32>
      %mul3A_371 = arith.muli %iota3A, %mul3A_370 : vector<16xi32>
      %add3A_372 = vector.broadcast %and3A_368 : i32 to vector<16xi32>
      %add3A_373 = arith.addi %mul3A_371, %add3A_372 : vector<16xi32>
      %mul3A_374 = arith.constant 0 : i32
      %mul3A_375 = vector.broadcast %mul3A_374 : i32 to vector<16xi32>
      %mul3A_376 = arith.muli %iota3A, %mul3A_375 : vector<16xi32>
      %mul3A_377 = arith.constant 8 : i32
      %mul3A_378 = arith.muli %mul3A_353, %mul3A_377 : i32
      %add3A_379 = arith.constant 0 : i32
      %add3A_380 = arith.addi %mul3A_378, %add3A_379 : i32
      %add3A_381 = vector.broadcast %add3A_380 : i32 to vector<16xi32>
      %add3A_382 = arith.addi %mul3A_376, %add3A_381 : vector<16xi32>
      %gather3A = arith.constant 0 : i32
      %gather3A_383 = arith.constant 0 : i32
      %gather3A_384 = arith.constant 0 : i32
      %gather3A_385 = tpu.memref_slice %arg6[%gather3A, %gather3A_383, %gather3A_384] : memref<16x32x128xf32, #tpu.memory_space<vmem>> -> memref<1x32x128xf32, #tpu.memory_space<vmem>>
      %gather3A_386 = tpu.memref_squeeze %gather3A_385 : memref<1x32x128xf32, #tpu.memory_space<vmem>> -> memref<32x128xf32, #tpu.memory_space<vmem>>
      %gather3A_387 = tpu.vector_load_idx %gather3A_386[%iota3A, %add3A_373] : memref<32x128xf32, #tpu.memory_space<vmem>>[vector<16xi32>, vector<16xi32>], vector<16xf32>,
      %add3A_388 = arith.constant 16 : i32
      %add3A_389 = vector.broadcast %add3A_388 : i32 to vector<16xi32>
      %add3A_390 = arith.addi %iota3A, %add3A_389 : vector<16xi32>
      %gather3A_391 = arith.constant 0 : i32
      %gather3A_392 = arith.constant 0 : i32
      %gather3A_393 = arith.constant 0 : i32
      %gather3A_394 = tpu.memref_slice %arg6[%gather3A_391, %gather3A_392, %gather3A_393] : memref<16x32x128xf32, #tpu.memory_space<vmem>> -> memref<1x32x128xf32, #tpu.memory_space<vmem>>
      %gather3A_395 = tpu.memref_squeeze %gather3A_394 : memref<1x32x128xf32, #tpu.memory_space<vmem>> -> memref<32x128xf32, #tpu.memory_space<vmem>>
      %gather3A_396 = tpu.vector_load_idx %gather3A_395[%add3A_390, %add3A_373] : memref<32x128xf32, #tpu.memory_space<vmem>>[vector<16xi32>, vector<16xi32>], vector<16xf32>,
      tpu.vector_store_idx %arg7[%iota3A, %add3A_382], %gather3A_387 : memref<32x512xf32, #tpu.memory_space<vmem>>[vector<16xi32>, vector<16xi32>], vector<16xf32>,
      %add3A_397 = arith.constant 16 : i32
      %add3A_398 = vector.broadcast %add3A_397 : i32 to vector<16xi32>
      %add3A_399 = arith.addi %iota3A, %add3A_398 : vector<16xi32>
      tpu.vector_store_idx %arg7[%add3A_399, %add3A_382], %gather3A_396 : memref<32x512xf32, #tpu.memory_space<vmem>>[vector<16xi32>, vector<16xi32>], vector<16xf32>,
      %eq3A_400 = arith.constant 1 : i32
      %eq3A_401 = vector.broadcast %eq3A_400 : i32 to vector<16xi32>
      %eq3A_402 = arith.cmpi eq, %iota3A, %eq3A_401 : vector<16xi32>
      %jit3A_403 = arith.constant 0 : i32
      %broadcast_in_dim3A_404 = vector.broadcast %jit3A_403 : i32 to vector<16xi32>
      %select_n3A_405 = arith.select %eq3A_402, %get3A_357, %broadcast_in_dim3A_404 : vector<16xi1>, vector<16xi32>
      %reduce_sum3A_406 = arith.constant true
      %reduce_sum3A_407 = vector.broadcast %reduce_sum3A_406 : i1 to vector<16xi1>
      %reduce_sum3A_408 = tpu.scan <sum>, %select_n3A_405 masked %reduce_sum3A_407 : vector<16xi32>, vector<16xi1> -> vector<16xi32>
      %reduce_sum3A_409 = vector.extract %reduce_sum3A_408[15] : i32 from vector<16xi32>
      %and3A_410 = arith.constant 127 : i32
      %and3A_411 = arith.andi %reduce_sum3A_409, %and3A_410 : i32
      %mul3A_412 = arith.constant 0 : i32
      %mul3A_413 = vector.broadcast %mul3A_412 : i32 to vector<16xi32>
      %mul3A_414 = arith.muli %iota3A, %mul3A_413 : vector<16xi32>
      %add3A_415 = vector.broadcast %and3A_411 : i32 to vector<16xi32>
      %add3A_416 = arith.addi %mul3A_414, %add3A_415 : vector<16xi32>
      %mul3A_417 = arith.constant 0 : i32
      %mul3A_418 = vector.broadcast %mul3A_417 : i32 to vector<16xi32>
      %mul3A_419 = arith.muli %iota3A, %mul3A_418 : vector<16xi32>
      %mul3A_420 = arith.constant 8 : i32
      %mul3A_421 = arith.muli %mul3A_353, %mul3A_420 : i32
      %add3A_422 = arith.constant 1 : i32
      %add3A_423 = arith.addi %mul3A_421, %add3A_422 : i32
      %add3A_424 = vector.broadcast %add3A_423 : i32 to vector<16xi32>
      %add3A_425 = arith.addi %mul3A_419, %add3A_424 : vector<16xi32>
      %gather3A_426 = arith.constant 1 : i32
      %gather3A_427 = arith.constant 0 : i32
      %gather3A_428 = arith.constant 0 : i32
      %gather3A_429 = tpu.memref_slice %arg6[%gather3A_426, %gather3A_427, %gather3A_428] : memref<16x32x128xf32, #tpu.memory_space<vmem>> -> memref<1x32x128xf32, #tpu.memory_space<vmem>>
      %gather3A_430 = tpu.memref_squeeze %gather3A_429 : memref<1x32x128xf32, #tpu.memory_space<vmem>> -> memref<32x128xf32, #tpu.memory_space<vmem>>
      %gather3A_431 = tpu.vector_load_idx %gather3A_430[%iota3A, %add3A_416] : memref<32x128xf32, #tpu.memory_space<vmem>>[vector<16xi32>, vector<16xi32>], vector<16xf32>,
      %add3A_432 = arith.constant 16 : i32
      %add3A_433 = vector.broadcast %add3A_432 : i32 to vector<16xi32>
      %add3A_434 = arith.addi %iota3A, %add3A_433 : vector<16xi32>
      %gather3A_435 = arith.constant 1 : i32
      %gather3A_436 = arith.constant 0 : i32
      %gather3A_437 = arith.constant 0 : i32
      %gather3A_438 = tpu.memref_slice %arg6[%gather3A_435, %gather3A_436, %gather3A_437] : memref<16x32x128xf32, #tpu.memory_space<vmem>> -> memref<1x32x128xf32, #tpu.memory_space<vmem>>
      %gather3A_439 = tpu.memref_squeeze %gather3A_438 : memref<1x32x128xf32, #tpu.memory_space<vmem>> -> memref<32x128xf32, #tpu.memory_space<vmem>>
      %gather3A_440 = tpu.vector_load_idx %gather3A_439[%add3A_434, %add3A_416] : memref<32x128xf32, #tpu.memory_space<vmem>>[vector<16xi32>, vector<16xi32>], vector<16xf32>,
      tpu.vector_store_idx %arg7[%iota3A, %add3A_425], %gather3A_431 : memref<32x512xf32, #tpu.memory_space<vmem>>[vector<16xi32>, vector<16xi32>], vector<16xf32>,
      %add3A_441 = arith.constant 16 : i32
      %add3A_442 = vector.broadcast %add3A_441 : i32 to vector<16xi32>
      %add3A_443 = arith.addi %iota3A, %add3A_442 : vector<16xi32>
      tpu.vector_store_idx %arg7[%add3A_443, %add3A_425], %gather3A_440 : memref<32x512xf32, #tpu.memory_space<vmem>>[vector<16xi32>, vector<16xi32>], vector<16xf32>,
      %eq3A_444 = arith.constant 2 : i32
      %eq3A_445 = vector.broadcast %eq3A_444 : i32 to vector<16xi32>
      %eq3A_446 = arith.cmpi eq, %iota3A, %eq3A_445 : vector<16xi32>
      %jit3A_447 = arith.constant 0 : i32
      %broadcast_in_dim3A_448 = vector.broadcast %jit3A_447 : i32 to vector<16xi32>
      %select_n3A_449 = arith.select %eq3A_446, %get3A_357, %broadcast_in_dim3A_448 : vector<16xi1>, vector<16xi32>
      %reduce_sum3A_450 = arith.constant true
      %reduce_sum3A_451 = vector.broadcast %reduce_sum3A_450 : i1 to vector<16xi1>
      %reduce_sum3A_452 = tpu.scan <sum>, %select_n3A_449 masked %reduce_sum3A_451 : vector<16xi32>, vector<16xi1> -> vector<16xi32>
      %reduce_sum3A_453 = vector.extract %reduce_sum3A_452[15] : i32 from vector<16xi32>
      %and3A_454 = arith.constant 127 : i32
      %and3A_455 = arith.andi %reduce_sum3A_453, %and3A_454 : i32
      %mul3A_456 = arith.constant 0 : i32
      %mul3A_457 = vector.broadcast %mul3A_456 : i32 to vector<16xi32>
      %mul3A_458 = arith.muli %iota3A, %mul3A_457 : vector<16xi32>
      %add3A_459 = vector.broadcast %and3A_455 : i32 to vector<16xi32>
      %add3A_460 = arith.addi %mul3A_458, %add3A_459 : vector<16xi32>
      %mul3A_461 = arith.constant 0 : i32
      %mul3A_462 = vector.broadcast %mul3A_461 : i32 to vector<16xi32>
      %mul3A_463 = arith.muli %iota3A, %mul3A_462 : vector<16xi32>
      %mul3A_464 = arith.constant 8 : i32
      %mul3A_465 = arith.muli %mul3A_353, %mul3A_464 : i32
      %add3A_466 = arith.constant 2 : i32
      %add3A_467 = arith.addi %mul3A_465, %add3A_466 : i32
      %add3A_468 = vector.broadcast %add3A_467 : i32 to vector<16xi32>
      %add3A_469 = arith.addi %mul3A_463, %add3A_468 : vector<16xi32>
      %gather3A_470 = arith.constant 2 : i32
      %gather3A_471 = arith.constant 0 : i32
      %gather3A_472 = arith.constant 0 : i32
      %gather3A_473 = tpu.memref_slice %arg6[%gather3A_470, %gather3A_471, %gather3A_472] : memref<16x32x128xf32, #tpu.memory_space<vmem>> -> memref<1x32x128xf32, #tpu.memory_space<vmem>>
      %gather3A_474 = tpu.memref_squeeze %gather3A_473 : memref<1x32x128xf32, #tpu.memory_space<vmem>> -> memref<32x128xf32, #tpu.memory_space<vmem>>
      %gather3A_475 = tpu.vector_load_idx %gather3A_474[%iota3A, %add3A_460] : memref<32x128xf32, #tpu.memory_space<vmem>>[vector<16xi32>, vector<16xi32>], vector<16xf32>,
      %add3A_476 = arith.constant 16 : i32
      %add3A_477 = vector.broadcast %add3A_476 : i32 to vector<16xi32>
      %add3A_478 = arith.addi %iota3A, %add3A_477 : vector<16xi32>
      %gather3A_479 = arith.constant 2 : i32
      %gather3A_480 = arith.constant 0 : i32
      %gather3A_481 = arith.constant 0 : i32
      %gather3A_482 = tpu.memref_slice %arg6[%gather3A_479, %gather3A_480, %gather3A_481] : memref<16x32x128xf32, #tpu.memory_space<vmem>> -> memref<1x32x128xf32, #tpu.memory_space<vmem>>
      %gather3A_483 = tpu.memref_squeeze %gather3A_482 : memref<1x32x128xf32, #tpu.memory_space<vmem>> -> memref<32x128xf32, #tpu.memory_space<vmem>>
      %gather3A_484 = tpu.vector_load_idx %gather3A_483[%add3A_478, %add3A_460] : memref<32x128xf32, #tpu.memory_space<vmem>>[vector<16xi32>, vector<16xi32>], vector<16xf32>,
      tpu.vector_store_idx %arg7[%iota3A, %add3A_469], %gather3A_475 : memref<32x512xf32, #tpu.memory_space<vmem>>[vector<16xi32>, vector<16xi32>], vector<16xf32>,
      %add3A_485 = arith.constant 16 : i32
      %add3A_486 = vector.broadcast %add3A_485 : i32 to vector<16xi32>
      %add3A_487 = arith.addi %iota3A, %add3A_486 : vector<16xi32>
      tpu.vector_store_idx %arg7[%add3A_487, %add3A_469], %gather3A_484 : memref<32x512xf32, #tpu.memory_space<vmem>>[vector<16xi32>, vector<16xi32>], vector<16xf32>,
      %eq3A_488 = arith.constant 3 : i32
      %eq3A_489 = vector.broadcast %eq3A_488 : i32 to vector<16xi32>
      %eq3A_490 = arith.cmpi eq, %iota3A, %eq3A_489 : vector<16xi32>
      %jit3A_491 = arith.constant 0 : i32
      %broadcast_in_dim3A_492 = vector.broadcast %jit3A_491 : i32 to vector<16xi32>
      %select_n3A_493 = arith.select %eq3A_490, %get3A_357, %broadcast_in_dim3A_492 : vector<16xi1>, vector<16xi32>
      %reduce_sum3A_494 = arith.constant true
      %reduce_sum3A_495 = vector.broadcast %reduce_sum3A_494 : i1 to vector<16xi1>
      %reduce_sum3A_496 = tpu.scan <sum>, %select_n3A_493 masked %reduce_sum3A_495 : vector<16xi32>, vector<16xi1> -> vector<16xi32>
      %reduce_sum3A_497 = vector.extract %reduce_sum3A_496[15] : i32 from vector<16xi32>
      %and3A_498 = arith.constant 127 : i32
      %and3A_499 = arith.andi %reduce_sum3A_497, %and3A_498 : i32
      %mul3A_500 = arith.constant 0 : i32
      %mul3A_501 = vector.broadcast %mul3A_500 : i32 to vector<16xi32>
      %mul3A_502 = arith.muli %iota3A, %mul3A_501 : vector<16xi32>
      %add3A_503 = vector.broadcast %and3A_499 : i32 to vector<16xi32>
      %add3A_504 = arith.addi %mul3A_502, %add3A_503 : vector<16xi32>
      %mul3A_505 = arith.constant 0 : i32
      %mul3A_506 = vector.broadcast %mul3A_505 : i32 to vector<16xi32>
      %mul3A_507 = arith.muli %iota3A, %mul3A_506 : vector<16xi32>
      %mul3A_508 = arith.constant 8 : i32
      %mul3A_509 = arith.muli %mul3A_353, %mul3A_508 : i32
      %add3A_510 = arith.constant 3 : i32
      %add3A_511 = arith.addi %mul3A_509, %add3A_510 : i32
      %add3A_512 = vector.broadcast %add3A_511 : i32 to vector<16xi32>
      %add3A_513 = arith.addi %mul3A_507, %add3A_512 : vector<16xi32>
      %gather3A_514 = arith.constant 3 : i32
      %gather3A_515 = arith.constant 0 : i32
      %gather3A_516 = arith.constant 0 : i32
      %gather3A_517 = tpu.memref_slice %arg6[%gather3A_514, %gather3A_515, %gather3A_516] : memref<16x32x128xf32, #tpu.memory_space<vmem>> -> memref<1x32x128xf32, #tpu.memory_space<vmem>>
      %gather3A_518 = tpu.memref_squeeze %gather3A_517 : memref<1x32x128xf32, #tpu.memory_space<vmem>> -> memref<32x128xf32, #tpu.memory_space<vmem>>
      %gather3A_519 = tpu.vector_load_idx %gather3A_518[%iota3A, %add3A_504] : memref<32x128xf32, #tpu.memory_space<vmem>>[vector<16xi32>, vector<16xi32>], vector<16xf32>,
      %add3A_520 = arith.constant 16 : i32
      %add3A_521 = vector.broadcast %add3A_520 : i32 to vector<16xi32>
      %add3A_522 = arith.addi %iota3A, %add3A_521 : vector<16xi32>
      %gather3A_523 = arith.constant 3 : i32
      %gather3A_524 = arith.constant 0 : i32
      %gather3A_525 = arith.constant 0 : i32
      %gather3A_526 = tpu.memref_slice %arg6[%gather3A_523, %gather3A_524, %gather3A_525] : memref<16x32x128xf32, #tpu.memory_space<vmem>> -> memref<1x32x128xf32, #tpu.memory_space<vmem>>
      %gather3A_527 = tpu.memref_squeeze %gather3A_526 : memref<1x32x128xf32, #tpu.memory_space<vmem>> -> memref<32x128xf32, #tpu.memory_space<vmem>>
      %gather3A_528 = tpu.vector_load_idx %gather3A_527[%add3A_522, %add3A_504] : memref<32x128xf32, #tpu.memory_space<vmem>>[vector<16xi32>, vector<16xi32>], vector<16xf32>,
      tpu.vector_store_idx %arg7[%iota3A, %add3A_513], %gather3A_519 : memref<32x512xf32, #tpu.memory_space<vmem>>[vector<16xi32>, vector<16xi32>], vector<16xf32>,
      %add3A_529 = arith.constant 16 : i32
      %add3A_530 = vector.broadcast %add3A_529 : i32 to vector<16xi32>
      %add3A_531 = arith.addi %iota3A, %add3A_530 : vector<16xi32>
      tpu.vector_store_idx %arg7[%add3A_531, %add3A_513], %gather3A_528 : memref<32x512xf32, #tpu.memory_space<vmem>>[vector<16xi32>, vector<16xi32>], vector<16xf32>,
      %eq3A_532 = arith.constant 4 : i32
      %eq3A_533 = vector.broadcast %eq3A_532 : i32 to vector<16xi32>
      %eq3A_534 = arith.cmpi eq, %iota3A, %eq3A_533 : vector<16xi32>
      %jit3A_535 = arith.constant 0 : i32
      %broadcast_in_dim3A_536 = vector.broadcast %jit3A_535 : i32 to vector<16xi32>
      %select_n3A_537 = arith.select %eq3A_534, %get3A_357, %broadcast_in_dim3A_536 : vector<16xi1>, vector<16xi32>
      %reduce_sum3A_538 = arith.constant true
      %reduce_sum3A_539 = vector.broadcast %reduce_sum3A_538 : i1 to vector<16xi1>
      %reduce_sum3A_540 = tpu.scan <sum>, %select_n3A_537 masked %reduce_sum3A_539 : vector<16xi32>, vector<16xi1> -> vector<16xi32>
      %reduce_sum3A_541 = vector.extract %reduce_sum3A_540[15] : i32 from vector<16xi32>
      %and3A_542 = arith.constant 127 : i32
      %and3A_543 = arith.andi %reduce_sum3A_541, %and3A_542 : i32
      %mul3A_544 = arith.constant 0 : i32
      %mul3A_545 = vector.broadcast %mul3A_544 : i32 to vector<16xi32>
      %mul3A_546 = arith.muli %iota3A, %mul3A_545 : vector<16xi32>
      %add3A_547 = vector.broadcast %and3A_543 : i32 to vector<16xi32>
      %add3A_548 = arith.addi %mul3A_546, %add3A_547 : vector<16xi32>
      %mul3A_549 = arith.constant 0 : i32
      %mul3A_550 = vector.broadcast %mul3A_549 : i32 to vector<16xi32>
      %mul3A_551 = arith.muli %iota3A, %mul3A_550 : vector<16xi32>
      %mul3A_552 = arith.constant 8 : i32
      %mul3A_553 = arith.muli %mul3A_353, %mul3A_552 : i32
      %add3A_554 = arith.constant 4 : i32
      %add3A_555 = arith.addi %mul3A_553, %add3A_554 : i32
      %add3A_556 = vector.broadcast %add3A_555 : i32 to vector<16xi32>
      %add3A_557 = arith.addi %mul3A_551, %add3A_556 : vector<16xi32>
      %gather3A_558 = arith.constant 4 : i32
      %gather3A_559 = arith.constant 0 : i32
      %gather3A_560 = arith.constant 0 : i32
      %gather3A_561 = tpu.memref_slice %arg6[%gather3A_558, %gather3A_559, %gather3A_560] : memref<16x32x128xf32, #tpu.memory_space<vmem>> -> memref<1x32x128xf32, #tpu.memory_space<vmem>>
      %gather3A_562 = tpu.memref_squeeze %gather3A_561 : memref<1x32x128xf32, #tpu.memory_space<vmem>> -> memref<32x128xf32, #tpu.memory_space<vmem>>
      %gather3A_563 = tpu.vector_load_idx %gather3A_562[%iota3A, %add3A_548] : memref<32x128xf32, #tpu.memory_space<vmem>>[vector<16xi32>, vector<16xi32>], vector<16xf32>,
      %add3A_564 = arith.constant 16 : i32
      %add3A_565 = vector.broadcast %add3A_564 : i32 to vector<16xi32>
      %add3A_566 = arith.addi %iota3A, %add3A_565 : vector<16xi32>
      %gather3A_567 = arith.constant 4 : i32
      %gather3A_568 = arith.constant 0 : i32
      %gather3A_569 = arith.constant 0 : i32
      %gather3A_570 = tpu.memref_slice %arg6[%gather3A_567, %gather3A_568, %gather3A_569] : memref<16x32x128xf32, #tpu.memory_space<vmem>> -> memref<1x32x128xf32, #tpu.memory_space<vmem>>
      %gather3A_571 = tpu.memref_squeeze %gather3A_570 : memref<1x32x128xf32, #tpu.memory_space<vmem>> -> memref<32x128xf32, #tpu.memory_space<vmem>>
      %gather3A_572 = tpu.vector_load_idx %gather3A_571[%add3A_566, %add3A_548] : memref<32x128xf32, #tpu.memory_space<vmem>>[vector<16xi32>, vector<16xi32>], vector<16xf32>,
      tpu.vector_store_idx %arg7[%iota3A, %add3A_557], %gather3A_563 : memref<32x512xf32, #tpu.memory_space<vmem>>[vector<16xi32>, vector<16xi32>], vector<16xf32>,
      %add3A_573 = arith.constant 16 : i32
      %add3A_574 = vector.broadcast %add3A_573 : i32 to vector<16xi32>
      %add3A_575 = arith.addi %iota3A, %add3A_574 : vector<16xi32>
      tpu.vector_store_idx %arg7[%add3A_575, %add3A_557], %gather3A_572 : memref<32x512xf32, #tpu.memory_space<vmem>>[vector<16xi32>, vector<16xi32>], vector<16xf32>,
      %eq3A_576 = arith.constant 5 : i32
      %eq3A_577 = vector.broadcast %eq3A_576 : i32 to vector<16xi32>
      %eq3A_578 = arith.cmpi eq, %iota3A, %eq3A_577 : vector<16xi32>
      %jit3A_579 = arith.constant 0 : i32
      %broadcast_in_dim3A_580 = vector.broadcast %jit3A_579 : i32 to vector<16xi32>
      %select_n3A_581 = arith.select %eq3A_578, %get3A_357, %broadcast_in_dim3A_580 : vector<16xi1>, vector<16xi32>
      %reduce_sum3A_582 = arith.constant true
      %reduce_sum3A_583 = vector.broadcast %reduce_sum3A_582 : i1 to vector<16xi1>
      %reduce_sum3A_584 = tpu.scan <sum>, %select_n3A_581 masked %reduce_sum3A_583 : vector<16xi32>, vector<16xi1> -> vector<16xi32>
      %reduce_sum3A_585 = vector.extract %reduce_sum3A_584[15] : i32 from vector<16xi32>
      %and3A_586 = arith.constant 127 : i32
      %and3A_587 = arith.andi %reduce_sum3A_585, %and3A_586 : i32
      %mul3A_588 = arith.constant 0 : i32
      %mul3A_589 = vector.broadcast %mul3A_588 : i32 to vector<16xi32>
      %mul3A_590 = arith.muli %iota3A, %mul3A_589 : vector<16xi32>
      %add3A_591 = vector.broadcast %and3A_587 : i32 to vector<16xi32>
      %add3A_592 = arith.addi %mul3A_590, %add3A_591 : vector<16xi32>
      %mul3A_593 = arith.constant 0 : i32
      %mul3A_594 = vector.broadcast %mul3A_593 : i32 to vector<16xi32>
      %mul3A_595 = arith.muli %iota3A, %mul3A_594 : vector<16xi32>
      %mul3A_596 = arith.constant 8 : i32
      %mul3A_597 = arith.muli %mul3A_353, %mul3A_596 : i32
      %add3A_598 = arith.constant 5 : i32
      %add3A_599 = arith.addi %mul3A_597, %add3A_598 : i32
      %add3A_600 = vector.broadcast %add3A_599 : i32 to vector<16xi32>
      %add3A_601 = arith.addi %mul3A_595, %add3A_600 : vector<16xi32>
      %gather3A_602 = arith.constant 5 : i32
      %gather3A_603 = arith.constant 0 : i32
      %gather3A_604 = arith.constant 0 : i32
      %gather3A_605 = tpu.memref_slice %arg6[%gather3A_602, %gather3A_603, %gather3A_604] : memref<16x32x128xf32, #tpu.memory_space<vmem>> -> memref<1x32x128xf32, #tpu.memory_space<vmem>>
      %gather3A_606 = tpu.memref_squeeze %gather3A_605 : memref<1x32x128xf32, #tpu.memory_space<vmem>> -> memref<32x128xf32, #tpu.memory_space<vmem>>
      %gather3A_607 = tpu.vector_load_idx %gather3A_606[%iota3A, %add3A_592] : memref<32x128xf32, #tpu.memory_space<vmem>>[vector<16xi32>, vector<16xi32>], vector<16xf32>,
      %add3A_608 = arith.constant 16 : i32
      %add3A_609 = vector.broadcast %add3A_608 : i32 to vector<16xi32>
      %add3A_610 = arith.addi %iota3A, %add3A_609 : vector<16xi32>
      %gather3A_611 = arith.constant 5 : i32
      %gather3A_612 = arith.constant 0 : i32
      %gather3A_613 = arith.constant 0 : i32
      %gather3A_614 = tpu.memref_slice %arg6[%gather3A_611, %gather3A_612, %gather3A_613] : memref<16x32x128xf32, #tpu.memory_space<vmem>> -> memref<1x32x128xf32, #tpu.memory_space<vmem>>
      %gather3A_615 = tpu.memref_squeeze %gather3A_614 : memref<1x32x128xf32, #tpu.memory_space<vmem>> -> memref<32x128xf32, #tpu.memory_space<vmem>>
      %gather3A_616 = tpu.vector_load_idx %gather3A_615[%add3A_610, %add3A_592] : memref<32x128xf32, #tpu.memory_space<vmem>>[vector<16xi32>, vector<16xi32>], vector<16xf32>,
      tpu.vector_store_idx %arg7[%iota3A, %add3A_601], %gather3A_607 : memref<32x512xf32, #tpu.memory_space<vmem>>[vector<16xi32>, vector<16xi32>], vector<16xf32>,
      %add3A_617 = arith.constant 16 : i32
      %add3A_618 = vector.broadcast %add3A_617 : i32 to vector<16xi32>
      %add3A_619 = arith.addi %iota3A, %add3A_618 : vector<16xi32>
      tpu.vector_store_idx %arg7[%add3A_619, %add3A_601], %gather3A_616 : memref<32x512xf32, #tpu.memory_space<vmem>>[vector<16xi32>, vector<16xi32>], vector<16xf32>,
      %eq3A_620 = arith.constant 6 : i32
      %eq3A_621 = vector.broadcast %eq3A_620 : i32 to vector<16xi32>
      %eq3A_622 = arith.cmpi eq, %iota3A, %eq3A_621 : vector<16xi32>
      %jit3A_623 = arith.constant 0 : i32
      %broadcast_in_dim3A_624 = vector.broadcast %jit3A_623 : i32 to vector<16xi32>
      %select_n3A_625 = arith.select %eq3A_622, %get3A_357, %broadcast_in_dim3A_624 : vector<16xi1>, vector<16xi32>
      %reduce_sum3A_626 = arith.constant true
      %reduce_sum3A_627 = vector.broadcast %reduce_sum3A_626 : i1 to vector<16xi1>
      %reduce_sum3A_628 = tpu.scan <sum>, %select_n3A_625 masked %reduce_sum3A_627 : vector<16xi32>, vector<16xi1> -> vector<16xi32>
      %reduce_sum3A_629 = vector.extract %reduce_sum3A_628[15] : i32 from vector<16xi32>
      %and3A_630 = arith.constant 127 : i32
      %and3A_631 = arith.andi %reduce_sum3A_629, %and3A_630 : i32
      %mul3A_632 = arith.constant 0 : i32
      %mul3A_633 = vector.broadcast %mul3A_632 : i32 to vector<16xi32>
      %mul3A_634 = arith.muli %iota3A, %mul3A_633 : vector<16xi32>
      %add3A_635 = vector.broadcast %and3A_631 : i32 to vector<16xi32>
      %add3A_636 = arith.addi %mul3A_634, %add3A_635 : vector<16xi32>
      %mul3A_637 = arith.constant 0 : i32
      %mul3A_638 = vector.broadcast %mul3A_637 : i32 to vector<16xi32>
      %mul3A_639 = arith.muli %iota3A, %mul3A_638 : vector<16xi32>
      %mul3A_640 = arith.constant 8 : i32
      %mul3A_641 = arith.muli %mul3A_353, %mul3A_640 : i32
      %add3A_642 = arith.constant 6 : i32
      %add3A_643 = arith.addi %mul3A_641, %add3A_642 : i32
      %add3A_644 = vector.broadcast %add3A_643 : i32 to vector<16xi32>
      %add3A_645 = arith.addi %mul3A_639, %add3A_644 : vector<16xi32>
      %gather3A_646 = arith.constant 6 : i32
      %gather3A_647 = arith.constant 0 : i32
      %gather3A_648 = arith.constant 0 : i32
      %gather3A_649 = tpu.memref_slice %arg6[%gather3A_646, %gather3A_647, %gather3A_648] : memref<16x32x128xf32, #tpu.memory_space<vmem>> -> memref<1x32x128xf32, #tpu.memory_space<vmem>>
      %gather3A_650 = tpu.memref_squeeze %gather3A_649 : memref<1x32x128xf32, #tpu.memory_space<vmem>> -> memref<32x128xf32, #tpu.memory_space<vmem>>
      %gather3A_651 = tpu.vector_load_idx %gather3A_650[%iota3A, %add3A_636] : memref<32x128xf32, #tpu.memory_space<vmem>>[vector<16xi32>, vector<16xi32>], vector<16xf32>,
      %add3A_652 = arith.constant 16 : i32
      %add3A_653 = vector.broadcast %add3A_652 : i32 to vector<16xi32>
      %add3A_654 = arith.addi %iota3A, %add3A_653 : vector<16xi32>
      %gather3A_655 = arith.constant 6 : i32
      %gather3A_656 = arith.constant 0 : i32
      %gather3A_657 = arith.constant 0 : i32
      %gather3A_658 = tpu.memref_slice %arg6[%gather3A_655, %gather3A_656, %gather3A_657] : memref<16x32x128xf32, #tpu.memory_space<vmem>> -> memref<1x32x128xf32, #tpu.memory_space<vmem>>
      %gather3A_659 = tpu.memref_squeeze %gather3A_658 : memref<1x32x128xf32, #tpu.memory_space<vmem>> -> memref<32x128xf32, #tpu.memory_space<vmem>>
      %gather3A_660 = tpu.vector_load_idx %gather3A_659[%add3A_654, %add3A_636] : memref<32x128xf32, #tpu.memory_space<vmem>>[vector<16xi32>, vector<16xi32>], vector<16xf32>,
      tpu.vector_store_idx %arg7[%iota3A, %add3A_645], %gather3A_651 : memref<32x512xf32, #tpu.memory_space<vmem>>[vector<16xi32>, vector<16xi32>], vector<16xf32>,
      %add3A_661 = arith.constant 16 : i32
      %add3A_662 = vector.broadcast %add3A_661 : i32 to vector<16xi32>
      %add3A_663 = arith.addi %iota3A, %add3A_662 : vector<16xi32>
      tpu.vector_store_idx %arg7[%add3A_663, %add3A_645], %gather3A_660 : memref<32x512xf32, #tpu.memory_space<vmem>>[vector<16xi32>, vector<16xi32>], vector<16xf32>,
      %eq3A_664 = arith.constant 7 : i32
      %eq3A_665 = vector.broadcast %eq3A_664 : i32 to vector<16xi32>
      %eq3A_666 = arith.cmpi eq, %iota3A, %eq3A_665 : vector<16xi32>
      %jit3A_667 = arith.constant 0 : i32
      %broadcast_in_dim3A_668 = vector.broadcast %jit3A_667 : i32 to vector<16xi32>
      %select_n3A_669 = arith.select %eq3A_666, %get3A_357, %broadcast_in_dim3A_668 : vector<16xi1>, vector<16xi32>
      %reduce_sum3A_670 = arith.constant true
      %reduce_sum3A_671 = vector.broadcast %reduce_sum3A_670 : i1 to vector<16xi1>
      %reduce_sum3A_672 = tpu.scan <sum>, %select_n3A_669 masked %reduce_sum3A_671 : vector<16xi32>, vector<16xi1> -> vector<16xi32>
      %reduce_sum3A_673 = vector.extract %reduce_sum3A_672[15] : i32 from vector<16xi32>
      %and3A_674 = arith.constant 127 : i32
      %and3A_675 = arith.andi %reduce_sum3A_673, %and3A_674 : i32
      %mul3A_676 = arith.constant 0 : i32
      %mul3A_677 = vector.broadcast %mul3A_676 : i32 to vector<16xi32>
      %mul3A_678 = arith.muli %iota3A, %mul3A_677 : vector<16xi32>
      %add3A_679 = vector.broadcast %and3A_675 : i32 to vector<16xi32>
      %add3A_680 = arith.addi %mul3A_678, %add3A_679 : vector<16xi32>
      %mul3A_681 = arith.constant 0 : i32
      %mul3A_682 = vector.broadcast %mul3A_681 : i32 to vector<16xi32>
      %mul3A_683 = arith.muli %iota3A, %mul3A_682 : vector<16xi32>
      %mul3A_684 = arith.constant 8 : i32
      %mul3A_685 = arith.muli %mul3A_353, %mul3A_684 : i32
      %add3A_686 = arith.constant 7 : i32
      %add3A_687 = arith.addi %mul3A_685, %add3A_686 : i32
      %add3A_688 = vector.broadcast %add3A_687 : i32 to vector<16xi32>
      %add3A_689 = arith.addi %mul3A_683, %add3A_688 : vector<16xi32>
      %gather3A_690 = arith.constant 7 : i32
      %gather3A_691 = arith.constant 0 : i32
      %gather3A_692 = arith.constant 0 : i32
      %gather3A_693 = tpu.memref_slice %arg6[%gather3A_690, %gather3A_691, %gather3A_692] : memref<16x32x128xf32, #tpu.memory_space<vmem>> -> memref<1x32x128xf32, #tpu.memory_space<vmem>>
      %gather3A_694 = tpu.memref_squeeze %gather3A_693 : memref<1x32x128xf32, #tpu.memory_space<vmem>> -> memref<32x128xf32, #tpu.memory_space<vmem>>
      %gather3A_695 = tpu.vector_load_idx %gather3A_694[%iota3A, %add3A_680] : memref<32x128xf32, #tpu.memory_space<vmem>>[vector<16xi32>, vector<16xi32>], vector<16xf32>,
      %add3A_696 = arith.constant 16 : i32
      %add3A_697 = vector.broadcast %add3A_696 : i32 to vector<16xi32>
      %add3A_698 = arith.addi %iota3A, %add3A_697 : vector<16xi32>
      %gather3A_699 = arith.constant 7 : i32
      %gather3A_700 = arith.constant 0 : i32
      %gather3A_701 = arith.constant 0 : i32
      %gather3A_702 = tpu.memref_slice %arg6[%gather3A_699, %gather3A_700, %gather3A_701] : memref<16x32x128xf32, #tpu.memory_space<vmem>> -> memref<1x32x128xf32, #tpu.memory_space<vmem>>
      %gather3A_703 = tpu.memref_squeeze %gather3A_702 : memref<1x32x128xf32, #tpu.memory_space<vmem>> -> memref<32x128xf32, #tpu.memory_space<vmem>>
      %gather3A_704 = tpu.vector_load_idx %gather3A_703[%add3A_698, %add3A_680] : memref<32x128xf32, #tpu.memory_space<vmem>>[vector<16xi32>, vector<16xi32>], vector<16xf32>,
      tpu.vector_store_idx %arg7[%iota3A, %add3A_689], %gather3A_695 : memref<32x512xf32, #tpu.memory_space<vmem>>[vector<16xi32>, vector<16xi32>], vector<16xf32>,
      %add3A_705 = arith.constant 16 : i32
      %add3A_706 = vector.broadcast %add3A_705 : i32 to vector<16xi32>
      %add3A_707 = arith.addi %iota3A, %add3A_706 : vector<16xi32>
      tpu.vector_store_idx %arg7[%add3A_707, %add3A_689], %gather3A_704 : memref<32x512xf32, #tpu.memory_space<vmem>>[vector<16xi32>, vector<16xi32>], vector<16xf32>,
      %mul3A_708 = arith.constant 2 : i32
      %mul3A_709 = arith.muli %mul3A_708, %scan3A_226 : i32
      %add3A_710 = arith.constant 2 : i32
      %add3A_711 = arith.addi %mul3A_709, %add3A_710 : i32
      %lt3A_712 = arith.constant 64 : i32
      %lt3A_713 = arith.cmpi slt, %add3A_711, %lt3A_712 : i32
      %convert_element_type3A_714 = arith.extui %lt3A_713 : i1 to i32
      %cond3A_715 = arith.constant 0 : i32
      %cond3A_716 = arith.cmpi ne, %convert_element_type3A_714, %cond3A_715 : i32
      scf.if %cond3A_716 {
        %mul3A_726 = arith.constant 2 : i32
        %mul3A_727 = arith.muli %mul3A_726, %scan3A_226 : i32
        %add3A_728 = arith.constant 2 : i32
        %add3A_729 = arith.addi %mul3A_727, %add3A_728 : i32
        %mul3A_730 = arith.constant 8 : i32
        %mul3A_731 = arith.muli %add3A_729, %mul3A_730 : i32
        %get3A_732 = arith.index_cast %mul3A_731 : i32 to index
        %get3A_733 = tpu.vector_load %arg5[%get3A_732] {strides = array<i32>} : memref<520xi32, #tpu.memory_space<vmem>>, vector<16xi32>,
        %eq3A_734 = arith.constant 0 : i32
        %eq3A_735 = vector.broadcast %eq3A_734 : i32 to vector<16xi32>
        %eq3A_736 = arith.cmpi eq, %iota3A, %eq3A_735 : vector<16xi32>
        %jit3A_737 = arith.constant 0 : i32
        %broadcast_in_dim3A_738 = vector.broadcast %jit3A_737 : i32 to vector<16xi32>
        %select_n3A_739 = arith.select %eq3A_736, %get3A_733, %broadcast_in_dim3A_738 : vector<16xi1>, vector<16xi32>
        %reduce_sum3A_740 = arith.constant true
        %reduce_sum3A_741 = vector.broadcast %reduce_sum3A_740 : i1 to vector<16xi1>
        %reduce_sum3A_742 = tpu.scan <sum>, %select_n3A_739 masked %reduce_sum3A_741 : vector<16xi32>, vector<16xi1> -> vector<16xi32>
        %reduce_sum3A_743 = vector.extract %reduce_sum3A_742[15] : i32 from vector<16xi32>
        %shift_right_arithmetic3A_744 = arith.constant 7 : i32
        %shift_right_arithmetic3A_745 = arith.shrsi %reduce_sum3A_743, %shift_right_arithmetic3A_744 : i32
        %mul3A_746 = arith.constant 128 : i32
        %mul3A_747 = arith.muli %shift_right_arithmetic3A_745, %mul3A_746 : i32
        %multiple_of3A_748 = tpu.assume_multiple %mul3A_747, 128 : i32
        %dma_start3A_749 = arith.constant 0 : i32
        %dma_start3A_750 = arith.constant 0 : i32
        %dma_start3A_751 = arith.constant 0 : i32
        %dma_start3A_752 = tpu.memref_slice %arg6[%dma_start3A_749, %dma_start3A_750, %dma_start3A_751] : memref<16x32x128xf32, #tpu.memory_space<vmem>> -> memref<1x32x128xf32, #tpu.memory_space<vmem>>
        %dma_start3A_753 = tpu.memref_squeeze %dma_start3A_752 : memref<1x32x128xf32, #tpu.memory_space<vmem>> -> memref<32x128xf32, #tpu.memory_space<vmem>>
        %dma_start3A_754 = arith.constant 0 : i32
        %dma_start3A_755 = tpu.memref_slice %arg2[%dma_start3A_754, %multiple_of3A_748] : memref<32x1000000xf32, #tpu.memory_space<hbm>> -> memref<32x128xf32, #tpu.memory_space<hbm>>
        %dma_start3A_756 = arith.constant 0 : i32
        %dma_start3A_757 = arith.constant 0 : i32
        %dma_start3A_758 = tpu.memref_slice %arg6[%dma_start3A_749, %dma_start3A_756, %dma_start3A_757] : memref<16x32x128xf32, #tpu.memory_space<vmem>> -> memref<1x32x128xf32, #tpu.memory_space<vmem>>
        %dma_start3A_759 = tpu.memref_squeeze %dma_start3A_758 : memref<1x32x128xf32, #tpu.memory_space<vmem>> -> memref<32x128xf32, #tpu.memory_space<vmem>>
        %dma_start3A_760 = arith.constant 0 : i32
        %dma_start3A_761 = tpu.memref_slice %arg2[%dma_start3A_760, %multiple_of3A_748] : memref<32x1000000xf32, #tpu.memory_space<hbm>> -> memref<32x128xf32, #tpu.memory_space<hbm>>
        tpu.enqueue_dma source(%dma_start3A_761 : memref<32x128xf32, #tpu.memory_space<hbm>>) target(%dma_start3A_759 : memref<32x128xf32, #tpu.memory_space<vmem>>) target_semaphore(%arg8 : memref<!tpu.dma_semaphore, #tpu.memory_space<semaphore_mem>>)
        %eq3A_762 = arith.constant 1 : i32
        %eq3A_763 = vector.broadcast %eq3A_762 : i32 to vector<16xi32>
        %eq3A_764 = arith.cmpi eq, %iota3A, %eq3A_763 : vector<16xi32>
        %jit3A_765 = arith.constant 0 : i32
        %broadcast_in_dim3A_766 = vector.broadcast %jit3A_765 : i32 to vector<16xi32>
        %select_n3A_767 = arith.select %eq3A_764, %get3A_733, %broadcast_in_dim3A_766 : vector<16xi1>, vector<16xi32>
        %reduce_sum3A_768 = arith.constant true
        %reduce_sum3A_769 = vector.broadcast %reduce_sum3A_768 : i1 to vector<16xi1>
        %reduce_sum3A_770 = tpu.scan <sum>, %select_n3A_767 masked %reduce_sum3A_769 : vector<16xi32>, vector<16xi1> -> vector<16xi32>
        %reduce_sum3A_771 = vector.extract %reduce_sum3A_770[15] : i32 from vector<16xi32>
        %shift_right_arithmetic3A_772 = arith.constant 7 : i32
        %shift_right_arithmetic3A_773 = arith.shrsi %reduce_sum3A_771, %shift_right_arithmetic3A_772 : i32
        %mul3A_774 = arith.constant 128 : i32
        %mul3A_775 = arith.muli %shift_right_arithmetic3A_773, %mul3A_774 : i32
        %multiple_of3A_776 = tpu.assume_multiple %mul3A_775, 128 : i32
        %dma_start3A_777 = arith.constant 1 : i32
        %dma_start3A_778 = arith.constant 0 : i32
        %dma_start3A_779 = arith.constant 0 : i32
        %dma_start3A_780 = tpu.memref_slice %arg6[%dma_start3A_777, %dma_start3A_778, %dma_start3A_779] : memref<16x32x128xf32, #tpu.memory_space<vmem>> -> memref<1x32x128xf32, #tpu.memory_space<vmem>>
        %dma_start3A_781 = tpu.memref_squeeze %dma_start3A_780 : memref<1x32x128xf32, #tpu.memory_space<vmem>> -> memref<32x128xf32, #tpu.memory_space<vmem>>
        %dma_start3A_782 = arith.constant 0 : i32
        %dma_start3A_783 = tpu.memref_slice %arg2[%dma_start3A_782, %multiple_of3A_776] : memref<32x1000000xf32, #tpu.memory_space<hbm>> -> memref<32x128xf32, #tpu.memory_space<hbm>>
        %dma_start3A_784 = arith.constant 0 : i32
        %dma_start3A_785 = arith.constant 0 : i32
        %dma_start3A_786 = tpu.memref_slice %arg6[%dma_start3A_777, %dma_start3A_784, %dma_start3A_785] : memref<16x32x128xf32, #tpu.memory_space<vmem>> -> memref<1x32x128xf32, #tpu.memory_space<vmem>>
        %dma_start3A_787 = tpu.memref_squeeze %dma_start3A_786 : memref<1x32x128xf32, #tpu.memory_space<vmem>> -> memref<32x128xf32, #tpu.memory_space<vmem>>
        %dma_start3A_788 = arith.constant 0 : i32
        %dma_start3A_789 = tpu.memref_slice %arg2[%dma_start3A_788, %multiple_of3A_776] : memref<32x1000000xf32, #tpu.memory_space<hbm>> -> memref<32x128xf32, #tpu.memory_space<hbm>>
        tpu.enqueue_dma source(%dma_start3A_789 : memref<32x128xf32, #tpu.memory_space<hbm>>) target(%dma_start3A_787 : memref<32x128xf32, #tpu.memory_space<vmem>>) target_semaphore(%arg8 : memref<!tpu.dma_semaphore, #tpu.memory_space<semaphore_mem>>)
        %eq3A_790 = arith.constant 2 : i32
        %eq3A_791 = vector.broadcast %eq3A_790 : i32 to vector<16xi32>
        %eq3A_792 = arith.cmpi eq, %iota3A, %eq3A_791 : vector<16xi32>
        %jit3A_793 = arith.constant 0 : i32
        %broadcast_in_dim3A_794 = vector.broadcast %jit3A_793 : i32 to vector<16xi32>
        %select_n3A_795 = arith.select %eq3A_792, %get3A_733, %broadcast_in_dim3A_794 : vector<16xi1>, vector<16xi32>
        %reduce_sum3A_796 = arith.constant true
        %reduce_sum3A_797 = vector.broadcast %reduce_sum3A_796 : i1 to vector<16xi1>
        %reduce_sum3A_798 = tpu.scan <sum>, %select_n3A_795 masked %reduce_sum3A_797 : vector<16xi32>, vector<16xi1> -> vector<16xi32>
        %reduce_sum3A_799 = vector.extract %reduce_sum3A_798[15] : i32 from vector<16xi32>
        %shift_right_arithmetic3A_800 = arith.constant 7 : i32
        %shift_right_arithmetic3A_801 = arith.shrsi %reduce_sum3A_799, %shift_right_arithmetic3A_800 : i32
        %mul3A_802 = arith.constant 128 : i32
        %mul3A_803 = arith.muli %shift_right_arithmetic3A_801, %mul3A_802 : i32
        %multiple_of3A_804 = tpu.assume_multiple %mul3A_803, 128 : i32
        %dma_start3A_805 = arith.constant 2 : i32
        %dma_start3A_806 = arith.constant 0 : i32
        %dma_start3A_807 = arith.constant 0 : i32
        %dma_start3A_808 = tpu.memref_slice %arg6[%dma_start3A_805, %dma_start3A_806, %dma_start3A_807] : memref<16x32x128xf32, #tpu.memory_space<vmem>> -> memref<1x32x128xf32, #tpu.memory_space<vmem>>
        %dma_start3A_809 = tpu.memref_squeeze %dma_start3A_808 : memref<1x32x128xf32, #tpu.memory_space<vmem>> -> memref<32x128xf32, #tpu.memory_space<vmem>>
        %dma_start3A_810 = arith.constant 0 : i32
        %dma_start3A_811 = tpu.memref_slice %arg2[%dma_start3A_810, %multiple_of3A_804] : memref<32x1000000xf32, #tpu.memory_space<hbm>> -> memref<32x128xf32, #tpu.memory_space<hbm>>
        %dma_start3A_812 = arith.constant 0 : i32
        %dma_start3A_813 = arith.constant 0 : i32
        %dma_start3A_814 = tpu.memref_slice %arg6[%dma_start3A_805, %dma_start3A_812, %dma_start3A_813] : memref<16x32x128xf32, #tpu.memory_space<vmem>> -> memref<1x32x128xf32, #tpu.memory_space<vmem>>
        %dma_start3A_815 = tpu.memref_squeeze %dma_start3A_814 : memref<1x32x128xf32, #tpu.memory_space<vmem>> -> memref<32x128xf32, #tpu.memory_space<vmem>>
        %dma_start3A_816 = arith.constant 0 : i32
        %dma_start3A_817 = tpu.memref_slice %arg2[%dma_start3A_816, %multiple_of3A_804] : memref<32x1000000xf32, #tpu.memory_space<hbm>> -> memref<32x128xf32, #tpu.memory_space<hbm>>
        tpu.enqueue_dma source(%dma_start3A_817 : memref<32x128xf32, #tpu.memory_space<hbm>>) target(%dma_start3A_815 : memref<32x128xf32, #tpu.memory_space<vmem>>) target_semaphore(%arg8 : memref<!tpu.dma_semaphore, #tpu.memory_space<semaphore_mem>>)
        %eq3A_818 = arith.constant 3 : i32
        %eq3A_819 = vector.broadcast %eq3A_818 : i32 to vector<16xi32>
        %eq3A_820 = arith.cmpi eq, %iota3A, %eq3A_819 : vector<16xi32>
        %jit3A_821 = arith.constant 0 : i32
        %broadcast_in_dim3A_822 = vector.broadcast %jit3A_821 : i32 to vector<16xi32>
        %select_n3A_823 = arith.select %eq3A_820, %get3A_733, %broadcast_in_dim3A_822 : vector<16xi1>, vector<16xi32>
        %reduce_sum3A_824 = arith.constant true
        %reduce_sum3A_825 = vector.broadcast %reduce_sum3A_824 : i1 to vector<16xi1>
        %reduce_sum3A_826 = tpu.scan <sum>, %select_n3A_823 masked %reduce_sum3A_825 : vector<16xi32>, vector<16xi1> -> vector<16xi32>
        %reduce_sum3A_827 = vector.extract %reduce_sum3A_826[15] : i32 from vector<16xi32>
        %shift_right_arithmetic3A_828 = arith.constant 7 : i32
        %shift_right_arithmetic3A_829 = arith.shrsi %reduce_sum3A_827, %shift_right_arithmetic3A_828 : i32
        %mul3A_830 = arith.constant 128 : i32
        %mul3A_831 = arith.muli %shift_right_arithmetic3A_829, %mul3A_830 : i32
        %multiple_of3A_832 = tpu.assume_multiple %mul3A_831, 128 : i32
        %dma_start3A_833 = arith.constant 3 : i32
        %dma_start3A_834 = arith.constant 0 : i32
        %dma_start3A_835 = arith.constant 0 : i32
        %dma_start3A_836 = tpu.memref_slice %arg6[%dma_start3A_833, %dma_start3A_834, %dma_start3A_835] : memref<16x32x128xf32, #tpu.memory_space<vmem>> -> memref<1x32x128xf32, #tpu.memory_space<vmem>>
        %dma_start3A_837 = tpu.memref_squeeze %dma_start3A_836 : memref<1x32x128xf32, #tpu.memory_space<vmem>> -> memref<32x128xf32, #tpu.memory_space<vmem>>
        %dma_start3A_838 = arith.constant 0 : i32
        %dma_start3A_839 = tpu.memref_slice %arg2[%dma_start3A_838, %multiple_of3A_832] : memref<32x1000000xf32, #tpu.memory_space<hbm>> -> memref<32x128xf32, #tpu.memory_space<hbm>>
        %dma_start3A_840 = arith.constant 0 : i32
        %dma_start3A_841 = arith.constant 0 : i32
        %dma_start3A_842 = tpu.memref_slice %arg6[%dma_start3A_833, %dma_start3A_840, %dma_start3A_841] : memref<16x32x128xf32, #tpu.memory_space<vmem>> -> memref<1x32x128xf32, #tpu.memory_space<vmem>>
        %dma_start3A_843 = tpu.memref_squeeze %dma_start3A_842 : memref<1x32x128xf32, #tpu.memory_space<vmem>> -> memref<32x128xf32, #tpu.memory_space<vmem>>
        %dma_start3A_844 = arith.constant 0 : i32
        %dma_start3A_845 = tpu.memref_slice %arg2[%dma_start3A_844, %multiple_of3A_832] : memref<32x1000000xf32, #tpu.memory_space<hbm>> -> memref<32x128xf32, #tpu.memory_space<hbm>>
        tpu.enqueue_dma source(%dma_start3A_845 : memref<32x128xf32, #tpu.memory_space<hbm>>) target(%dma_start3A_843 : memref<32x128xf32, #tpu.memory_space<vmem>>) target_semaphore(%arg8 : memref<!tpu.dma_semaphore, #tpu.memory_space<semaphore_mem>>)
        %eq3A_846 = arith.constant 4 : i32
        %eq3A_847 = vector.broadcast %eq3A_846 : i32 to vector<16xi32>
        %eq3A_848 = arith.cmpi eq, %iota3A, %eq3A_847 : vector<16xi32>
        %jit3A_849 = arith.constant 0 : i32
        %broadcast_in_dim3A_850 = vector.broadcast %jit3A_849 : i32 to vector<16xi32>
        %select_n3A_851 = arith.select %eq3A_848, %get3A_733, %broadcast_in_dim3A_850 : vector<16xi1>, vector<16xi32>
        %reduce_sum3A_852 = arith.constant true
        %reduce_sum3A_853 = vector.broadcast %reduce_sum3A_852 : i1 to vector<16xi1>
        %reduce_sum3A_854 = tpu.scan <sum>, %select_n3A_851 masked %reduce_sum3A_853 : vector<16xi32>, vector<16xi1> -> vector<16xi32>
        %reduce_sum3A_855 = vector.extract %reduce_sum3A_854[15] : i32 from vector<16xi32>
        %shift_right_arithmetic3A_856 = arith.constant 7 : i32
        %shift_right_arithmetic3A_857 = arith.shrsi %reduce_sum3A_855, %shift_right_arithmetic3A_856 : i32
        %mul3A_858 = arith.constant 128 : i32
        %mul3A_859 = arith.muli %shift_right_arithmetic3A_857, %mul3A_858 : i32
        %multiple_of3A_860 = tpu.assume_multiple %mul3A_859, 128 : i32
        %dma_start3A_861 = arith.constant 4 : i32
        %dma_start3A_862 = arith.constant 0 : i32
        %dma_start3A_863 = arith.constant 0 : i32
        %dma_start3A_864 = tpu.memref_slice %arg6[%dma_start3A_861, %dma_start3A_862, %dma_start3A_863] : memref<16x32x128xf32, #tpu.memory_space<vmem>> -> memref<1x32x128xf32, #tpu.memory_space<vmem>>
        %dma_start3A_865 = tpu.memref_squeeze %dma_start3A_864 : memref<1x32x128xf32, #tpu.memory_space<vmem>> -> memref<32x128xf32, #tpu.memory_space<vmem>>
        %dma_start3A_866 = arith.constant 0 : i32
        %dma_start3A_867 = tpu.memref_slice %arg2[%dma_start3A_866, %multiple_of3A_860] : memref<32x1000000xf32, #tpu.memory_space<hbm>> -> memref<32x128xf32, #tpu.memory_space<hbm>>
        %dma_start3A_868 = arith.constant 0 : i32
        %dma_start3A_869 = arith.constant 0 : i32
        %dma_start3A_870 = tpu.memref_slice %arg6[%dma_start3A_861, %dma_start3A_868, %dma_start3A_869] : memref<16x32x128xf32, #tpu.memory_space<vmem>> -> memref<1x32x128xf32, #tpu.memory_space<vmem>>
        %dma_start3A_871 = tpu.memref_squeeze %dma_start3A_870 : memref<1x32x128xf32, #tpu.memory_space<vmem>> -> memref<32x128xf32, #tpu.memory_space<vmem>>
        %dma_start3A_872 = arith.constant 0 : i32
        %dma_start3A_873 = tpu.memref_slice %arg2[%dma_start3A_872, %multiple_of3A_860] : memref<32x1000000xf32, #tpu.memory_space<hbm>> -> memref<32x128xf32, #tpu.memory_space<hbm>>
        tpu.enqueue_dma source(%dma_start3A_873 : memref<32x128xf32, #tpu.memory_space<hbm>>) target(%dma_start3A_871 : memref<32x128xf32, #tpu.memory_space<vmem>>) target_semaphore(%arg8 : memref<!tpu.dma_semaphore, #tpu.memory_space<semaphore_mem>>)
        %eq3A_874 = arith.constant 5 : i32
        %eq3A_875 = vector.broadcast %eq3A_874 : i32 to vector<16xi32>
        %eq3A_876 = arith.cmpi eq, %iota3A, %eq3A_875 : vector<16xi32>
        %jit3A_877 = arith.constant 0 : i32
        %broadcast_in_dim3A_878 = vector.broadcast %jit3A_877 : i32 to vector<16xi32>
        %select_n3A_879 = arith.select %eq3A_876, %get3A_733, %broadcast_in_dim3A_878 : vector<16xi1>, vector<16xi32>
        %reduce_sum3A_880 = arith.constant true
        %reduce_sum3A_881 = vector.broadcast %reduce_sum3A_880 : i1 to vector<16xi1>
        %reduce_sum3A_882 = tpu.scan <sum>, %select_n3A_879 masked %reduce_sum3A_881 : vector<16xi32>, vector<16xi1> -> vector<16xi32>
        %reduce_sum3A_883 = vector.extract %reduce_sum3A_882[15] : i32 from vector<16xi32>
        %shift_right_arithmetic3A_884 = arith.constant 7 : i32
        %shift_right_arithmetic3A_885 = arith.shrsi %reduce_sum3A_883, %shift_right_arithmetic3A_884 : i32
        %mul3A_886 = arith.constant 128 : i32
        %mul3A_887 = arith.muli %shift_right_arithmetic3A_885, %mul3A_886 : i32
        %multiple_of3A_888 = tpu.assume_multiple %mul3A_887, 128 : i32
        %dma_start3A_889 = arith.constant 5 : i32
        %dma_start3A_890 = arith.constant 0 : i32
        %dma_start3A_891 = arith.constant 0 : i32
        %dma_start3A_892 = tpu.memref_slice %arg6[%dma_start3A_889, %dma_start3A_890, %dma_start3A_891] : memref<16x32x128xf32, #tpu.memory_space<vmem>> -> memref<1x32x128xf32, #tpu.memory_space<vmem>>
        %dma_start3A_893 = tpu.memref_squeeze %dma_start3A_892 : memref<1x32x128xf32, #tpu.memory_space<vmem>> -> memref<32x128xf32, #tpu.memory_space<vmem>>
        %dma_start3A_894 = arith.constant 0 : i32
        %dma_start3A_895 = tpu.memref_slice %arg2[%dma_start3A_894, %multiple_of3A_888] : memref<32x1000000xf32, #tpu.memory_space<hbm>> -> memref<32x128xf32, #tpu.memory_space<hbm>>
        %dma_start3A_896 = arith.constant 0 : i32
        %dma_start3A_897 = arith.constant 0 : i32
        %dma_start3A_898 = tpu.memref_slice %arg6[%dma_start3A_889, %dma_start3A_896, %dma_start3A_897] : memref<16x32x128xf32, #tpu.memory_space<vmem>> -> memref<1x32x128xf32, #tpu.memory_space<vmem>>
        %dma_start3A_899 = tpu.memref_squeeze %dma_start3A_898 : memref<1x32x128xf32, #tpu.memory_space<vmem>> -> memref<32x128xf32, #tpu.memory_space<vmem>>
        %dma_start3A_900 = arith.constant 0 : i32
        %dma_start3A_901 = tpu.memref_slice %arg2[%dma_start3A_900, %multiple_of3A_888] : memref<32x1000000xf32, #tpu.memory_space<hbm>> -> memref<32x128xf32, #tpu.memory_space<hbm>>
        tpu.enqueue_dma source(%dma_start3A_901 : memref<32x128xf32, #tpu.memory_space<hbm>>) target(%dma_start3A_899 : memref<32x128xf32, #tpu.memory_space<vmem>>) target_semaphore(%arg8 : memref<!tpu.dma_semaphore, #tpu.memory_space<semaphore_mem>>)
        %eq3A_902 = arith.constant 6 : i32
        %eq3A_903 = vector.broadcast %eq3A_902 : i32 to vector<16xi32>
        %eq3A_904 = arith.cmpi eq, %iota3A, %eq3A_903 : vector<16xi32>
        %jit3A_905 = arith.constant 0 : i32
        %broadcast_in_dim3A_906 = vector.broadcast %jit3A_905 : i32 to vector<16xi32>
        %select_n3A_907 = arith.select %eq3A_904, %get3A_733, %broadcast_in_dim3A_906 : vector<16xi1>, vector<16xi32>
        %reduce_sum3A_908 = arith.constant true
        %reduce_sum3A_909 = vector.broadcast %reduce_sum3A_908 : i1 to vector<16xi1>
        %reduce_sum3A_910 = tpu.scan <sum>, %select_n3A_907 masked %reduce_sum3A_909 : vector<16xi32>, vector<16xi1> -> vector<16xi32>
        %reduce_sum3A_911 = vector.extract %reduce_sum3A_910[15] : i32 from vector<16xi32>
        %shift_right_arithmetic3A_912 = arith.constant 7 : i32
        %shift_right_arithmetic3A_913 = arith.shrsi %reduce_sum3A_911, %shift_right_arithmetic3A_912 : i32
        %mul3A_914 = arith.constant 128 : i32
        %mul3A_915 = arith.muli %shift_right_arithmetic3A_913, %mul3A_914 : i32
        %multiple_of3A_916 = tpu.assume_multiple %mul3A_915, 128 : i32
        %dma_start3A_917 = arith.constant 6 : i32
        %dma_start3A_918 = arith.constant 0 : i32
        %dma_start3A_919 = arith.constant 0 : i32
        %dma_start3A_920 = tpu.memref_slice %arg6[%dma_start3A_917, %dma_start3A_918, %dma_start3A_919] : memref<16x32x128xf32, #tpu.memory_space<vmem>> -> memref<1x32x128xf32, #tpu.memory_space<vmem>>
        %dma_start3A_921 = tpu.memref_squeeze %dma_start3A_920 : memref<1x32x128xf32, #tpu.memory_space<vmem>> -> memref<32x128xf32, #tpu.memory_space<vmem>>
        %dma_start3A_922 = arith.constant 0 : i32
        %dma_start3A_923 = tpu.memref_slice %arg2[%dma_start3A_922, %multiple_of3A_916] : memref<32x1000000xf32, #tpu.memory_space<hbm>> -> memref<32x128xf32, #tpu.memory_space<hbm>>
        %dma_start3A_924 = arith.constant 0 : i32
        %dma_start3A_925 = arith.constant 0 : i32
        %dma_start3A_926 = tpu.memref_slice %arg6[%dma_start3A_917, %dma_start3A_924, %dma_start3A_925] : memref<16x32x128xf32, #tpu.memory_space<vmem>> -> memref<1x32x128xf32, #tpu.memory_space<vmem>>
        %dma_start3A_927 = tpu.memref_squeeze %dma_start3A_926 : memref<1x32x128xf32, #tpu.memory_space<vmem>> -> memref<32x128xf32, #tpu.memory_space<vmem>>
        %dma_start3A_928 = arith.constant 0 : i32
        %dma_start3A_929 = tpu.memref_slice %arg2[%dma_start3A_928, %multiple_of3A_916] : memref<32x1000000xf32, #tpu.memory_space<hbm>> -> memref<32x128xf32, #tpu.memory_space<hbm>>
        tpu.enqueue_dma source(%dma_start3A_929 : memref<32x128xf32, #tpu.memory_space<hbm>>) target(%dma_start3A_927 : memref<32x128xf32, #tpu.memory_space<vmem>>) target_semaphore(%arg8 : memref<!tpu.dma_semaphore, #tpu.memory_space<semaphore_mem>>)
        %eq3A_930 = arith.constant 7 : i32
        %eq3A_931 = vector.broadcast %eq3A_930 : i32 to vector<16xi32>
        %eq3A_932 = arith.cmpi eq, %iota3A, %eq3A_931 : vector<16xi32>
        %jit3A_933 = arith.constant 0 : i32
        %broadcast_in_dim3A_934 = vector.broadcast %jit3A_933 : i32 to vector<16xi32>
        %select_n3A_935 = arith.select %eq3A_932, %get3A_733, %broadcast_in_dim3A_934 : vector<16xi1>, vector<16xi32>
        %reduce_sum3A_936 = arith.constant true
        %reduce_sum3A_937 = vector.broadcast %reduce_sum3A_936 : i1 to vector<16xi1>
        %reduce_sum3A_938 = tpu.scan <sum>, %select_n3A_935 masked %reduce_sum3A_937 : vector<16xi32>, vector<16xi1> -> vector<16xi32>
        %reduce_sum3A_939 = vector.extract %reduce_sum3A_938[15] : i32 from vector<16xi32>
        %shift_right_arithmetic3A_940 = arith.constant 7 : i32
        %shift_right_arithmetic3A_941 = arith.shrsi %reduce_sum3A_939, %shift_right_arithmetic3A_940 : i32
        %mul3A_942 = arith.constant 128 : i32
        %mul3A_943 = arith.muli %shift_right_arithmetic3A_941, %mul3A_942 : i32
        %multiple_of3A_944 = tpu.assume_multiple %mul3A_943, 128 : i32
        %dma_start3A_945 = arith.constant 7 : i32
        %dma_start3A_946 = arith.constant 0 : i32
        %dma_start3A_947 = arith.constant 0 : i32
        %dma_start3A_948 = tpu.memref_slice %arg6[%dma_start3A_945, %dma_start3A_946, %dma_start3A_947] : memref<16x32x128xf32, #tpu.memory_space<vmem>> -> memref<1x32x128xf32, #tpu.memory_space<vmem>>
        %dma_start3A_949 = tpu.memref_squeeze %dma_start3A_948 : memref<1x32x128xf32, #tpu.memory_space<vmem>> -> memref<32x128xf32, #tpu.memory_space<vmem>>
        %dma_start3A_950 = arith.constant 0 : i32
        %dma_start3A_951 = tpu.memref_slice %arg2[%dma_start3A_950, %multiple_of3A_944] : memref<32x1000000xf32, #tpu.memory_space<hbm>> -> memref<32x128xf32, #tpu.memory_space<hbm>>
        %dma_start3A_952 = arith.constant 0 : i32
        %dma_start3A_953 = arith.constant 0 : i32
        %dma_start3A_954 = tpu.memref_slice %arg6[%dma_start3A_945, %dma_start3A_952, %dma_start3A_953] : memref<16x32x128xf32, #tpu.memory_space<vmem>> -> memref<1x32x128xf32, #tpu.memory_space<vmem>>
        %dma_start3A_955 = tpu.memref_squeeze %dma_start3A_954 : memref<1x32x128xf32, #tpu.memory_space<vmem>> -> memref<32x128xf32, #tpu.memory_space<vmem>>
        %dma_start3A_956 = arith.constant 0 : i32
        %dma_start3A_957 = tpu.memref_slice %arg2[%dma_start3A_956, %multiple_of3A_944] : memref<32x1000000xf32, #tpu.memory_space<hbm>> -> memref<32x128xf32, #tpu.memory_space<hbm>>
        tpu.enqueue_dma source(%dma_start3A_957 : memref<32x128xf32, #tpu.memory_space<hbm>>) target(%dma_start3A_955 : memref<32x128xf32, #tpu.memory_space<vmem>>) target_semaphore(%arg8 : memref<!tpu.dma_semaphore, #tpu.memory_space<semaphore_mem>>)
      } else {
      }
      %mul3A_717 = arith.constant 2 : i32
      %mul3A_718 = arith.muli %mul3A_717, %scan3A_226 : i32
      %add3A_719 = arith.constant 1 : i32
      %add3A_720 = arith.addi %mul3A_718, %add3A_719 : i32
      %lt3A_721 = arith.constant 64 : i32
      %lt3A_722 = arith.cmpi slt, %add3A_720, %lt3A_721 : i32
      %convert_element_type3A_723 = arith.extui %lt3A_722 : i1 to i32
      %cond3A_724 = arith.constant 0 : i32
      %cond3A_725 = arith.cmpi ne, %convert_element_type3A_723, %cond3A_724 : i32
      scf.if %cond3A_725 {
        %dma_wait3A_726 = arith.constant 8 : i32
        %dma_wait3A_727 = arith.constant 0 : i32
        %dma_wait3A_728 = arith.constant 0 : i32
        %dma_wait3A_729 = tpu.memref_slice %arg6[%dma_wait3A_726, %dma_wait3A_727, %dma_wait3A_728] : memref<16x32x128xf32, #tpu.memory_space<vmem>> -> memref<1x32x128xf32, #tpu.memory_space<vmem>>
        %dma_wait3A_730 = tpu.memref_squeeze %dma_wait3A_729 : memref<1x32x128xf32, #tpu.memory_space<vmem>> -> memref<32x128xf32, #tpu.memory_space<vmem>>
        %dma_wait3A_731 = arith.constant 0 : i32
        %dma_wait3A_732 = arith.constant 0 : i32
        %dma_wait3A_733 = tpu.memref_slice %arg2[%dma_wait3A_731, %dma_wait3A_732] : memref<32x1000000xf32, #tpu.memory_space<hbm>> -> memref<32x128xf32, #tpu.memory_space<hbm>>
        %dma_wait3A_734 = arith.constant 0 : i32
        %dma_wait3A_735 = arith.constant 0 : i32
        %dma_wait3A_736 = tpu.memref_slice %arg6[%dma_wait3A_726, %dma_wait3A_734, %dma_wait3A_735] : memref<16x32x128xf32, #tpu.memory_space<vmem>> -> memref<1x32x128xf32, #tpu.memory_space<vmem>>
        %dma_wait3A_737 = tpu.memref_squeeze %dma_wait3A_736 : memref<1x32x128xf32, #tpu.memory_space<vmem>> -> memref<32x128xf32, #tpu.memory_space<vmem>>
        %dma_wait3A_738 = arith.constant 0 : i32
        %dma_wait3A_739 = arith.constant 0 : i32
        %dma_wait3A_740 = tpu.memref_slice %arg2[%dma_wait3A_738, %dma_wait3A_739] : memref<32x1000000xf32, #tpu.memory_space<hbm>> -> memref<32x128xf32, #tpu.memory_space<hbm>>
        tpu.wait_dma2 semaphore(%arg9 : memref<!tpu.dma_semaphore, #tpu.memory_space<semaphore_mem>>) src(%dma_wait3A_740 : memref<32x128xf32, #tpu.memory_space<hbm>>) dst(%dma_wait3A_737 : memref<32x128xf32, #tpu.memory_space<vmem>>)
        %dma_wait3A_741 = arith.constant 9 : i32
        %dma_wait3A_742 = arith.constant 0 : i32
        %dma_wait3A_743 = arith.constant 0 : i32
        %dma_wait3A_744 = tpu.memref_slice %arg6[%dma_wait3A_741, %dma_wait3A_742, %dma_wait3A_743] : memref<16x32x128xf32, #tpu.memory_space<vmem>> -> memref<1x32x128xf32, #tpu.memory_space<vmem>>
        %dma_wait3A_745 = tpu.memref_squeeze %dma_wait3A_744 : memref<1x32x128xf32, #tpu.memory_space<vmem>> -> memref<32x128xf32, #tpu.memory_space<vmem>>
        %dma_wait3A_746 = arith.constant 0 : i32
        %dma_wait3A_747 = arith.constant 0 : i32
        %dma_wait3A_748 = tpu.memref_slice %arg2[%dma_wait3A_746, %dma_wait3A_747] : memref<32x1000000xf32, #tpu.memory_space<hbm>> -> memref<32x128xf32, #tpu.memory_space<hbm>>
        %dma_wait3A_749 = arith.constant 0 : i32
        %dma_wait3A_750 = arith.constant 0 : i32
        %dma_wait3A_751 = tpu.memref_slice %arg6[%dma_wait3A_741, %dma_wait3A_749, %dma_wait3A_750] : memref<16x32x128xf32, #tpu.memory_space<vmem>> -> memref<1x32x128xf32, #tpu.memory_space<vmem>>
        %dma_wait3A_752 = tpu.memref_squeeze %dma_wait3A_751 : memref<1x32x128xf32, #tpu.memory_space<vmem>> -> memref<32x128xf32, #tpu.memory_space<vmem>>
        %dma_wait3A_753 = arith.constant 0 : i32
        %dma_wait3A_754 = arith.constant 0 : i32
        %dma_wait3A_755 = tpu.memref_slice %arg2[%dma_wait3A_753, %dma_wait3A_754] : memref<32x1000000xf32, #tpu.memory_space<hbm>> -> memref<32x128xf32, #tpu.memory_space<hbm>>
        tpu.wait_dma2 semaphore(%arg9 : memref<!tpu.dma_semaphore, #tpu.memory_space<semaphore_mem>>) src(%dma_wait3A_755 : memref<32x128xf32, #tpu.memory_space<hbm>>) dst(%dma_wait3A_752 : memref<32x128xf32, #tpu.memory_space<vmem>>)
        %dma_wait3A_756 = arith.constant 10 : i32
        %dma_wait3A_757 = arith.constant 0 : i32
        %dma_wait3A_758 = arith.constant 0 : i32
        %dma_wait3A_759 = tpu.memref_slice %arg6[%dma_wait3A_756, %dma_wait3A_757, %dma_wait3A_758] : memref<16x32x128xf32, #tpu.memory_space<vmem>> -> memref<1x32x128xf32, #tpu.memory_space<vmem>>
        %dma_wait3A_760 = tpu.memref_squeeze %dma_wait3A_759 : memref<1x32x128xf32, #tpu.memory_space<vmem>> -> memref<32x128xf32, #tpu.memory_space<vmem>>
        %dma_wait3A_761 = arith.constant 0 : i32
        %dma_wait3A_762 = arith.constant 0 : i32
        %dma_wait3A_763 = tpu.memref_slice %arg2[%dma_wait3A_761, %dma_wait3A_762] : memref<32x1000000xf32, #tpu.memory_space<hbm>> -> memref<32x128xf32, #tpu.memory_space<hbm>>
        %dma_wait3A_764 = arith.constant 0 : i32
        %dma_wait3A_765 = arith.constant 0 : i32
        %dma_wait3A_766 = tpu.memref_slice %arg6[%dma_wait3A_756, %dma_wait3A_764, %dma_wait3A_765] : memref<16x32x128xf32, #tpu.memory_space<vmem>> -> memref<1x32x128xf32, #tpu.memory_space<vmem>>
        %dma_wait3A_767 = tpu.memref_squeeze %dma_wait3A_766 : memref<1x32x128xf32, #tpu.memory_space<vmem>> -> memref<32x128xf32, #tpu.memory_space<vmem>>
        %dma_wait3A_768 = arith.constant 0 : i32
        %dma_wait3A_769 = arith.constant 0 : i32
        %dma_wait3A_770 = tpu.memref_slice %arg2[%dma_wait3A_768, %dma_wait3A_769] : memref<32x1000000xf32, #tpu.memory_space<hbm>> -> memref<32x128xf32, #tpu.memory_space<hbm>>
        tpu.wait_dma2 semaphore(%arg9 : memref<!tpu.dma_semaphore, #tpu.memory_space<semaphore_mem>>) src(%dma_wait3A_770 : memref<32x128xf32, #tpu.memory_space<hbm>>) dst(%dma_wait3A_767 : memref<32x128xf32, #tpu.memory_space<vmem>>)
        %dma_wait3A_771 = arith.constant 11 : i32
        %dma_wait3A_772 = arith.constant 0 : i32
        %dma_wait3A_773 = arith.constant 0 : i32
        %dma_wait3A_774 = tpu.memref_slice %arg6[%dma_wait3A_771, %dma_wait3A_772, %dma_wait3A_773] : memref<16x32x128xf32, #tpu.memory_space<vmem>> -> memref<1x32x128xf32, #tpu.memory_space<vmem>>
        %dma_wait3A_775 = tpu.memref_squeeze %dma_wait3A_774 : memref<1x32x128xf32, #tpu.memory_space<vmem>> -> memref<32x128xf32, #tpu.memory_space<vmem>>
        %dma_wait3A_776 = arith.constant 0 : i32
        %dma_wait3A_777 = arith.constant 0 : i32
        %dma_wait3A_778 = tpu.memref_slice %arg2[%dma_wait3A_776, %dma_wait3A_777] : memref<32x1000000xf32, #tpu.memory_space<hbm>> -> memref<32x128xf32, #tpu.memory_space<hbm>>
        %dma_wait3A_779 = arith.constant 0 : i32
        %dma_wait3A_780 = arith.constant 0 : i32
        %dma_wait3A_781 = tpu.memref_slice %arg6[%dma_wait3A_771, %dma_wait3A_779, %dma_wait3A_780] : memref<16x32x128xf32, #tpu.memory_space<vmem>> -> memref<1x32x128xf32, #tpu.memory_space<vmem>>
        %dma_wait3A_782 = tpu.memref_squeeze %dma_wait3A_781 : memref<1x32x128xf32, #tpu.memory_space<vmem>> -> memref<32x128xf32, #tpu.memory_space<vmem>>
        %dma_wait3A_783 = arith.constant 0 : i32
        %dma_wait3A_784 = arith.constant 0 : i32
        %dma_wait3A_785 = tpu.memref_slice %arg2[%dma_wait3A_783, %dma_wait3A_784] : memref<32x1000000xf32, #tpu.memory_space<hbm>> -> memref<32x128xf32, #tpu.memory_space<hbm>>
        tpu.wait_dma2 semaphore(%arg9 : memref<!tpu.dma_semaphore, #tpu.memory_space<semaphore_mem>>) src(%dma_wait3A_785 : memref<32x128xf32, #tpu.memory_space<hbm>>) dst(%dma_wait3A_782 : memref<32x128xf32, #tpu.memory_space<vmem>>)
        %dma_wait3A_786 = arith.constant 12 : i32
        %dma_wait3A_787 = arith.constant 0 : i32
        %dma_wait3A_788 = arith.constant 0 : i32
        %dma_wait3A_789 = tpu.memref_slice %arg6[%dma_wait3A_786, %dma_wait3A_787, %dma_wait3A_788] : memref<16x32x128xf32, #tpu.memory_space<vmem>> -> memref<1x32x128xf32, #tpu.memory_space<vmem>>
        %dma_wait3A_790 = tpu.memref_squeeze %dma_wait3A_789 : memref<1x32x128xf32, #tpu.memory_space<vmem>> -> memref<32x128xf32, #tpu.memory_space<vmem>>
        %dma_wait3A_791 = arith.constant 0 : i32
        %dma_wait3A_792 = arith.constant 0 : i32
        %dma_wait3A_793 = tpu.memref_slice %arg2[%dma_wait3A_791, %dma_wait3A_792] : memref<32x1000000xf32, #tpu.memory_space<hbm>> -> memref<32x128xf32, #tpu.memory_space<hbm>>
        %dma_wait3A_794 = arith.constant 0 : i32
        %dma_wait3A_795 = arith.constant 0 : i32
        %dma_wait3A_796 = tpu.memref_slice %arg6[%dma_wait3A_786, %dma_wait3A_794, %dma_wait3A_795] : memref<16x32x128xf32, #tpu.memory_space<vmem>> -> memref<1x32x128xf32, #tpu.memory_space<vmem>>
        %dma_wait3A_797 = tpu.memref_squeeze %dma_wait3A_796 : memref<1x32x128xf32, #tpu.memory_space<vmem>> -> memref<32x128xf32, #tpu.memory_space<vmem>>
        %dma_wait3A_798 = arith.constant 0 : i32
        %dma_wait3A_799 = arith.constant 0 : i32
        %dma_wait3A_800 = tpu.memref_slice %arg2[%dma_wait3A_798, %dma_wait3A_799] : memref<32x1000000xf32, #tpu.memory_space<hbm>> -> memref<32x128xf32, #tpu.memory_space<hbm>>
        tpu.wait_dma2 semaphore(%arg9 : memref<!tpu.dma_semaphore, #tpu.memory_space<semaphore_mem>>) src(%dma_wait3A_800 : memref<32x128xf32, #tpu.memory_space<hbm>>) dst(%dma_wait3A_797 : memref<32x128xf32, #tpu.memory_space<vmem>>)
        %dma_wait3A_801 = arith.constant 13 : i32
        %dma_wait3A_802 = arith.constant 0 : i32
        %dma_wait3A_803 = arith.constant 0 : i32
        %dma_wait3A_804 = tpu.memref_slice %arg6[%dma_wait3A_801, %dma_wait3A_802, %dma_wait3A_803] : memref<16x32x128xf32, #tpu.memory_space<vmem>> -> memref<1x32x128xf32, #tpu.memory_space<vmem>>
        %dma_wait3A_805 = tpu.memref_squeeze %dma_wait3A_804 : memref<1x32x128xf32, #tpu.memory_space<vmem>> -> memref<32x128xf32, #tpu.memory_space<vmem>>
        %dma_wait3A_806 = arith.constant 0 : i32
        %dma_wait3A_807 = arith.constant 0 : i32
        %dma_wait3A_808 = tpu.memref_slice %arg2[%dma_wait3A_806, %dma_wait3A_807] : memref<32x1000000xf32, #tpu.memory_space<hbm>> -> memref<32x128xf32, #tpu.memory_space<hbm>>
        %dma_wait3A_809 = arith.constant 0 : i32
        %dma_wait3A_810 = arith.constant 0 : i32
        %dma_wait3A_811 = tpu.memref_slice %arg6[%dma_wait3A_801, %dma_wait3A_809, %dma_wait3A_810] : memref<16x32x128xf32, #tpu.memory_space<vmem>> -> memref<1x32x128xf32, #tpu.memory_space<vmem>>
        %dma_wait3A_812 = tpu.memref_squeeze %dma_wait3A_811 : memref<1x32x128xf32, #tpu.memory_space<vmem>> -> memref<32x128xf32, #tpu.memory_space<vmem>>
        %dma_wait3A_813 = arith.constant 0 : i32
        %dma_wait3A_814 = arith.constant 0 : i32
        %dma_wait3A_815 = tpu.memref_slice %arg2[%dma_wait3A_813, %dma_wait3A_814] : memref<32x1000000xf32, #tpu.memory_space<hbm>> -> memref<32x128xf32, #tpu.memory_space<hbm>>
        tpu.wait_dma2 semaphore(%arg9 : memref<!tpu.dma_semaphore, #tpu.memory_space<semaphore_mem>>) src(%dma_wait3A_815 : memref<32x128xf32, #tpu.memory_space<hbm>>) dst(%dma_wait3A_812 : memref<32x128xf32, #tpu.memory_space<vmem>>)
        %dma_wait3A_816 = arith.constant 14 : i32
        %dma_wait3A_817 = arith.constant 0 : i32
        %dma_wait3A_818 = arith.constant 0 : i32
        %dma_wait3A_819 = tpu.memref_slice %arg6[%dma_wait3A_816, %dma_wait3A_817, %dma_wait3A_818] : memref<16x32x128xf32, #tpu.memory_space<vmem>> -> memref<1x32x128xf32, #tpu.memory_space<vmem>>
        %dma_wait3A_820 = tpu.memref_squeeze %dma_wait3A_819 : memref<1x32x128xf32, #tpu.memory_space<vmem>> -> memref<32x128xf32, #tpu.memory_space<vmem>>
        %dma_wait3A_821 = arith.constant 0 : i32
        %dma_wait3A_822 = arith.constant 0 : i32
        %dma_wait3A_823 = tpu.memref_slice %arg2[%dma_wait3A_821, %dma_wait3A_822] : memref<32x1000000xf32, #tpu.memory_space<hbm>> -> memref<32x128xf32, #tpu.memory_space<hbm>>
        %dma_wait3A_824 = arith.constant 0 : i32
        %dma_wait3A_825 = arith.constant 0 : i32
        %dma_wait3A_826 = tpu.memref_slice %arg6[%dma_wait3A_816, %dma_wait3A_824, %dma_wait3A_825] : memref<16x32x128xf32, #tpu.memory_space<vmem>> -> memref<1x32x128xf32, #tpu.memory_space<vmem>>
        %dma_wait3A_827 = tpu.memref_squeeze %dma_wait3A_826 : memref<1x32x128xf32, #tpu.memory_space<vmem>> -> memref<32x128xf32, #tpu.memory_space<vmem>>
        %dma_wait3A_828 = arith.constant 0 : i32
        %dma_wait3A_829 = arith.constant 0 : i32
        %dma_wait3A_830 = tpu.memref_slice %arg2[%dma_wait3A_828, %dma_wait3A_829] : memref<32x1000000xf32, #tpu.memory_space<hbm>> -> memref<32x128xf32, #tpu.memory_space<hbm>>
        tpu.wait_dma2 semaphore(%arg9 : memref<!tpu.dma_semaphore, #tpu.memory_space<semaphore_mem>>) src(%dma_wait3A_830 : memref<32x128xf32, #tpu.memory_space<hbm>>) dst(%dma_wait3A_827 : memref<32x128xf32, #tpu.memory_space<vmem>>)
        %dma_wait3A_831 = arith.constant 15 : i32
        %dma_wait3A_832 = arith.constant 0 : i32
        %dma_wait3A_833 = arith.constant 0 : i32
        %dma_wait3A_834 = tpu.memref_slice %arg6[%dma_wait3A_831, %dma_wait3A_832, %dma_wait3A_833] : memref<16x32x128xf32, #tpu.memory_space<vmem>> -> memref<1x32x128xf32, #tpu.memory_space<vmem>>
        %dma_wait3A_835 = tpu.memref_squeeze %dma_wait3A_834 : memref<1x32x128xf32, #tpu.memory_space<vmem>> -> memref<32x128xf32, #tpu.memory_space<vmem>>
        %dma_wait3A_836 = arith.constant 0 : i32
        %dma_wait3A_837 = arith.constant 0 : i32
        %dma_wait3A_838 = tpu.memref_slice %arg2[%dma_wait3A_836, %dma_wait3A_837] : memref<32x1000000xf32, #tpu.memory_space<hbm>> -> memref<32x128xf32, #tpu.memory_space<hbm>>
        %dma_wait3A_839 = arith.constant 0 : i32
        %dma_wait3A_840 = arith.constant 0 : i32
        %dma_wait3A_841 = tpu.memref_slice %arg6[%dma_wait3A_831, %dma_wait3A_839, %dma_wait3A_840] : memref<16x32x128xf32, #tpu.memory_space<vmem>> -> memref<1x32x128xf32, #tpu.memory_space<vmem>>
        %dma_wait3A_842 = tpu.memref_squeeze %dma_wait3A_841 : memref<1x32x128xf32, #tpu.memory_space<vmem>> -> memref<32x128xf32, #tpu.memory_space<vmem>>
        %dma_wait3A_843 = arith.constant 0 : i32
        %dma_wait3A_844 = arith.constant 0 : i32
        %dma_wait3A_845 = tpu.memref_slice %arg2[%dma_wait3A_843, %dma_wait3A_844] : memref<32x1000000xf32, #tpu.memory_space<hbm>> -> memref<32x128xf32, #tpu.memory_space<hbm>>
        tpu.wait_dma2 semaphore(%arg9 : memref<!tpu.dma_semaphore, #tpu.memory_space<semaphore_mem>>) src(%dma_wait3A_845 : memref<32x128xf32, #tpu.memory_space<hbm>>) dst(%dma_wait3A_842 : memref<32x128xf32, #tpu.memory_space<vmem>>)
        %mul3A_846 = arith.constant 2 : i32
        %mul3A_847 = arith.muli %mul3A_846, %scan3A_226 : i32
        %add3A_848 = arith.constant 1 : i32
        %add3A_849 = arith.addi %mul3A_847, %add3A_848 : i32
        %mul3A_850 = arith.constant 8 : i32
        %mul3A_851 = arith.muli %add3A_849, %mul3A_850 : i32
        %get3A_852 = arith.index_cast %mul3A_851 : i32 to index
        %get3A_853 = tpu.vector_load %arg5[%get3A_852] {strides = array<i32>} : memref<520xi32, #tpu.memory_space<vmem>>, vector<16xi32>,
        %eq3A_854 = arith.constant 0 : i32
        %eq3A_855 = vector.broadcast %eq3A_854 : i32 to vector<16xi32>
        %eq3A_856 = arith.cmpi eq, %iota3A, %eq3A_855 : vector<16xi32>
        %jit3A_857 = arith.constant 0 : i32
        %broadcast_in_dim3A_858 = vector.broadcast %jit3A_857 : i32 to vector<16xi32>
        %select_n3A_859 = arith.select %eq3A_856, %get3A_853, %broadcast_in_dim3A_858 : vector<16xi1>, vector<16xi32>
        %reduce_sum3A_860 = arith.constant true
        %reduce_sum3A_861 = vector.broadcast %reduce_sum3A_860 : i1 to vector<16xi1>
        %reduce_sum3A_862 = tpu.scan <sum>, %select_n3A_859 masked %reduce_sum3A_861 : vector<16xi32>, vector<16xi1> -> vector<16xi32>
        %reduce_sum3A_863 = vector.extract %reduce_sum3A_862[15] : i32 from vector<16xi32>
        %and3A_864 = arith.constant 127 : i32
        %and3A_865 = arith.andi %reduce_sum3A_863, %and3A_864 : i32
        %mul3A_866 = arith.constant 0 : i32
        %mul3A_867 = vector.broadcast %mul3A_866 : i32 to vector<16xi32>
        %mul3A_868 = arith.muli %iota3A, %mul3A_867 : vector<16xi32>
        %add3A_869 = vector.broadcast %and3A_865 : i32 to vector<16xi32>
        %add3A_870 = arith.addi %mul3A_868, %add3A_869 : vector<16xi32>
        %mul3A_871 = arith.constant 0 : i32
        %mul3A_872 = vector.broadcast %mul3A_871 : i32 to vector<16xi32>
        %mul3A_873 = arith.muli %iota3A, %mul3A_872 : vector<16xi32>
        %mul3A_874 = arith.constant 8 : i32
        %mul3A_875 = arith.muli %add3A_849, %mul3A_874 : i32
        %add3A_876 = arith.constant 0 : i32
        %add3A_877 = arith.addi %mul3A_875, %add3A_876 : i32
        %add3A_878 = vector.broadcast %add3A_877 : i32 to vector<16xi32>
        %add3A_879 = arith.addi %mul3A_873, %add3A_878 : vector<16xi32>
        %gather3A_880 = arith.constant 8 : i32
        %gather3A_881 = arith.constant 0 : i32
        %gather3A_882 = arith.constant 0 : i32
        %gather3A_883 = tpu.memref_slice %arg6[%gather3A_880, %gather3A_881, %gather3A_882] : memref<16x32x128xf32, #tpu.memory_space<vmem>> -> memref<1x32x128xf32, #tpu.memory_space<vmem>>
        %gather3A_884 = tpu.memref_squeeze %gather3A_883 : memref<1x32x128xf32, #tpu.memory_space<vmem>> -> memref<32x128xf32, #tpu.memory_space<vmem>>
        %gather3A_885 = tpu.vector_load_idx %gather3A_884[%iota3A, %add3A_870] : memref<32x128xf32, #tpu.memory_space<vmem>>[vector<16xi32>, vector<16xi32>], vector<16xf32>,
        %add3A_886 = arith.constant 16 : i32
        %add3A_887 = vector.broadcast %add3A_886 : i32 to vector<16xi32>
        %add3A_888 = arith.addi %iota3A, %add3A_887 : vector<16xi32>
        %gather3A_889 = arith.constant 8 : i32
        %gather3A_890 = arith.constant 0 : i32
        %gather3A_891 = arith.constant 0 : i32
        %gather3A_892 = tpu.memref_slice %arg6[%gather3A_889, %gather3A_890, %gather3A_891] : memref<16x32x128xf32, #tpu.memory_space<vmem>> -> memref<1x32x128xf32, #tpu.memory_space<vmem>>
        %gather3A_893 = tpu.memref_squeeze %gather3A_892 : memref<1x32x128xf32, #tpu.memory_space<vmem>> -> memref<32x128xf32, #tpu.memory_space<vmem>>
        %gather3A_894 = tpu.vector_load_idx %gather3A_893[%add3A_888, %add3A_870] : memref<32x128xf32, #tpu.memory_space<vmem>>[vector<16xi32>, vector<16xi32>], vector<16xf32>,
        tpu.vector_store_idx %arg7[%iota3A, %add3A_879], %gather3A_885 : memref<32x512xf32, #tpu.memory_space<vmem>>[vector<16xi32>, vector<16xi32>], vector<16xf32>,
        %add3A_895 = arith.constant 16 : i32
        %add3A_896 = vector.broadcast %add3A_895 : i32 to vector<16xi32>
        %add3A_897 = arith.addi %iota3A, %add3A_896 : vector<16xi32>
        tpu.vector_store_idx %arg7[%add3A_897, %add3A_879], %gather3A_894 : memref<32x512xf32, #tpu.memory_space<vmem>>[vector<16xi32>, vector<16xi32>], vector<16xf32>,
        %eq3A_898 = arith.constant 1 : i32
        %eq3A_899 = vector.broadcast %eq3A_898 : i32 to vector<16xi32>
        %eq3A_900 = arith.cmpi eq, %iota3A, %eq3A_899 : vector<16xi32>
        %jit3A_901 = arith.constant 0 : i32
        %broadcast_in_dim3A_902 = vector.broadcast %jit3A_901 : i32 to vector<16xi32>
        %select_n3A_903 = arith.select %eq3A_900, %get3A_853, %broadcast_in_dim3A_902 : vector<16xi1>, vector<16xi32>
        %reduce_sum3A_904 = arith.constant true
        %reduce_sum3A_905 = vector.broadcast %reduce_sum3A_904 : i1 to vector<16xi1>
        %reduce_sum3A_906 = tpu.scan <sum>, %select_n3A_903 masked %reduce_sum3A_905 : vector<16xi32>, vector<16xi1> -> vector<16xi32>
        %reduce_sum3A_907 = vector.extract %reduce_sum3A_906[15] : i32 from vector<16xi32>
        %and3A_908 = arith.constant 127 : i32
        %and3A_909 = arith.andi %reduce_sum3A_907, %and3A_908 : i32
        %mul3A_910 = arith.constant 0 : i32
        %mul3A_911 = vector.broadcast %mul3A_910 : i32 to vector<16xi32>
        %mul3A_912 = arith.muli %iota3A, %mul3A_911 : vector<16xi32>
        %add3A_913 = vector.broadcast %and3A_909 : i32 to vector<16xi32>
        %add3A_914 = arith.addi %mul3A_912, %add3A_913 : vector<16xi32>
        %mul3A_915 = arith.constant 0 : i32
        %mul3A_916 = vector.broadcast %mul3A_915 : i32 to vector<16xi32>
        %mul3A_917 = arith.muli %iota3A, %mul3A_916 : vector<16xi32>
        %mul3A_918 = arith.constant 8 : i32
        %mul3A_919 = arith.muli %add3A_849, %mul3A_918 : i32
        %add3A_920 = arith.constant 1 : i32
        %add3A_921 = arith.addi %mul3A_919, %add3A_920 : i32
        %add3A_922 = vector.broadcast %add3A_921 : i32 to vector<16xi32>
        %add3A_923 = arith.addi %mul3A_917, %add3A_922 : vector<16xi32>
        %gather3A_924 = arith.constant 9 : i32
        %gather3A_925 = arith.constant 0 : i32
        %gather3A_926 = arith.constant 0 : i32
        %gather3A_927 = tpu.memref_slice %arg6[%gather3A_924, %gather3A_925, %gather3A_926] : memref<16x32x128xf32, #tpu.memory_space<vmem>> -> memref<1x32x128xf32, #tpu.memory_space<vmem>>
        %gather3A_928 = tpu.memref_squeeze %gather3A_927 : memref<1x32x128xf32, #tpu.memory_space<vmem>> -> memref<32x128xf32, #tpu.memory_space<vmem>>
        %gather3A_929 = tpu.vector_load_idx %gather3A_928[%iota3A, %add3A_914] : memref<32x128xf32, #tpu.memory_space<vmem>>[vector<16xi32>, vector<16xi32>], vector<16xf32>,
        %add3A_930 = arith.constant 16 : i32
        %add3A_931 = vector.broadcast %add3A_930 : i32 to vector<16xi32>
        %add3A_932 = arith.addi %iota3A, %add3A_931 : vector<16xi32>
        %gather3A_933 = arith.constant 9 : i32
        %gather3A_934 = arith.constant 0 : i32
        %gather3A_935 = arith.constant 0 : i32
        %gather3A_936 = tpu.memref_slice %arg6[%gather3A_933, %gather3A_934, %gather3A_935] : memref<16x32x128xf32, #tpu.memory_space<vmem>> -> memref<1x32x128xf32, #tpu.memory_space<vmem>>
        %gather3A_937 = tpu.memref_squeeze %gather3A_936 : memref<1x32x128xf32, #tpu.memory_space<vmem>> -> memref<32x128xf32, #tpu.memory_space<vmem>>
        %gather3A_938 = tpu.vector_load_idx %gather3A_937[%add3A_932, %add3A_914] : memref<32x128xf32, #tpu.memory_space<vmem>>[vector<16xi32>, vector<16xi32>], vector<16xf32>,
        tpu.vector_store_idx %arg7[%iota3A, %add3A_923], %gather3A_929 : memref<32x512xf32, #tpu.memory_space<vmem>>[vector<16xi32>, vector<16xi32>], vector<16xf32>,
        %add3A_939 = arith.constant 16 : i32
        %add3A_940 = vector.broadcast %add3A_939 : i32 to vector<16xi32>
        %add3A_941 = arith.addi %iota3A, %add3A_940 : vector<16xi32>
        tpu.vector_store_idx %arg7[%add3A_941, %add3A_923], %gather3A_938 : memref<32x512xf32, #tpu.memory_space<vmem>>[vector<16xi32>, vector<16xi32>], vector<16xf32>,
        %eq3A_942 = arith.constant 2 : i32
        %eq3A_943 = vector.broadcast %eq3A_942 : i32 to vector<16xi32>
        %eq3A_944 = arith.cmpi eq, %iota3A, %eq3A_943 : vector<16xi32>
        %jit3A_945 = arith.constant 0 : i32
        %broadcast_in_dim3A_946 = vector.broadcast %jit3A_945 : i32 to vector<16xi32>
        %select_n3A_947 = arith.select %eq3A_944, %get3A_853, %broadcast_in_dim3A_946 : vector<16xi1>, vector<16xi32>
        %reduce_sum3A_948 = arith.constant true
        %reduce_sum3A_949 = vector.broadcast %reduce_sum3A_948 : i1 to vector<16xi1>
        %reduce_sum3A_950 = tpu.scan <sum>, %select_n3A_947 masked %reduce_sum3A_949 : vector<16xi32>, vector<16xi1> -> vector<16xi32>
        %reduce_sum3A_951 = vector.extract %reduce_sum3A_950[15] : i32 from vector<16xi32>
        %and3A_952 = arith.constant 127 : i32
        %and3A_953 = arith.andi %reduce_sum3A_951, %and3A_952 : i32
        %mul3A_954 = arith.constant 0 : i32
        %mul3A_955 = vector.broadcast %mul3A_954 : i32 to vector<16xi32>
        %mul3A_956 = arith.muli %iota3A, %mul3A_955 : vector<16xi32>
        %add3A_957 = vector.broadcast %and3A_953 : i32 to vector<16xi32>
        %add3A_958 = arith.addi %mul3A_956, %add3A_957 : vector<16xi32>
        %mul3A_959 = arith.constant 0 : i32
        %mul3A_960 = vector.broadcast %mul3A_959 : i32 to vector<16xi32>
        %mul3A_961 = arith.muli %iota3A, %mul3A_960 : vector<16xi32>
        %mul3A_962 = arith.constant 8 : i32
        %mul3A_963 = arith.muli %add3A_849, %mul3A_962 : i32
        %add3A_964 = arith.constant 2 : i32
        %add3A_965 = arith.addi %mul3A_963, %add3A_964 : i32
        %add3A_966 = vector.broadcast %add3A_965 : i32 to vector<16xi32>
        %add3A_967 = arith.addi %mul3A_961, %add3A_966 : vector<16xi32>
        %gather3A_968 = arith.constant 10 : i32
        %gather3A_969 = arith.constant 0 : i32
        %gather3A_970 = arith.constant 0 : i32
        %gather3A_971 = tpu.memref_slice %arg6[%gather3A_968, %gather3A_969, %gather3A_970] : memref<16x32x128xf32, #tpu.memory_space<vmem>> -> memref<1x32x128xf32, #tpu.memory_space<vmem>>
        %gather3A_972 = tpu.memref_squeeze %gather3A_971 : memref<1x32x128xf32, #tpu.memory_space<vmem>> -> memref<32x128xf32, #tpu.memory_space<vmem>>
        %gather3A_973 = tpu.vector_load_idx %gather3A_972[%iota3A, %add3A_958] : memref<32x128xf32, #tpu.memory_space<vmem>>[vector<16xi32>, vector<16xi32>], vector<16xf32>,
        %add3A_974 = arith.constant 16 : i32
        %add3A_975 = vector.broadcast %add3A_974 : i32 to vector<16xi32>
        %add3A_976 = arith.addi %iota3A, %add3A_975 : vector<16xi32>
        %gather3A_977 = arith.constant 10 : i32
        %gather3A_978 = arith.constant 0 : i32
        %gather3A_979 = arith.constant 0 : i32
        %gather3A_980 = tpu.memref_slice %arg6[%gather3A_977, %gather3A_978, %gather3A_979] : memref<16x32x128xf32, #tpu.memory_space<vmem>> -> memref<1x32x128xf32, #tpu.memory_space<vmem>>
        %gather3A_981 = tpu.memref_squeeze %gather3A_980 : memref<1x32x128xf32, #tpu.memory_space<vmem>> -> memref<32x128xf32, #tpu.memory_space<vmem>>
        %gather3A_982 = tpu.vector_load_idx %gather3A_981[%add3A_976, %add3A_958] : memref<32x128xf32, #tpu.memory_space<vmem>>[vector<16xi32>, vector<16xi32>], vector<16xf32>,
        tpu.vector_store_idx %arg7[%iota3A, %add3A_967], %gather3A_973 : memref<32x512xf32, #tpu.memory_space<vmem>>[vector<16xi32>, vector<16xi32>], vector<16xf32>,
        %add3A_983 = arith.constant 16 : i32
        %add3A_984 = vector.broadcast %add3A_983 : i32 to vector<16xi32>
        %add3A_985 = arith.addi %iota3A, %add3A_984 : vector<16xi32>
        tpu.vector_store_idx %arg7[%add3A_985, %add3A_967], %gather3A_982 : memref<32x512xf32, #tpu.memory_space<vmem>>[vector<16xi32>, vector<16xi32>], vector<16xf32>,
        %eq3A_986 = arith.constant 3 : i32
        %eq3A_987 = vector.broadcast %eq3A_986 : i32 to vector<16xi32>
        %eq3A_988 = arith.cmpi eq, %iota3A, %eq3A_987 : vector<16xi32>
        %jit3A_989 = arith.constant 0 : i32
        %broadcast_in_dim3A_990 = vector.broadcast %jit3A_989 : i32 to vector<16xi32>
        %select_n3A_991 = arith.select %eq3A_988, %get3A_853, %broadcast_in_dim3A_990 : vector<16xi1>, vector<16xi32>
        %reduce_sum3A_992 = arith.constant true
        %reduce_sum3A_993 = vector.broadcast %reduce_sum3A_992 : i1 to vector<16xi1>
        %reduce_sum3A_994 = tpu.scan <sum>, %select_n3A_991 masked %reduce_sum3A_993 : vector<16xi32>, vector<16xi1> -> vector<16xi32>
        %reduce_sum3A_995 = vector.extract %reduce_sum3A_994[15] : i32 from vector<16xi32>
        %and3A_996 = arith.constant 127 : i32
        %and3A_997 = arith.andi %reduce_sum3A_995, %and3A_996 : i32
        %mul3A_998 = arith.constant 0 : i32
        %mul3A_999 = vector.broadcast %mul3A_998 : i32 to vector<16xi32>
        %mul3A_1000 = arith.muli %iota3A, %mul3A_999 : vector<16xi32>
        %add3A_1001 = vector.broadcast %and3A_997 : i32 to vector<16xi32>
        %add3A_1002 = arith.addi %mul3A_1000, %add3A_1001 : vector<16xi32>
        %mul3A_1003 = arith.constant 0 : i32
        %mul3A_1004 = vector.broadcast %mul3A_1003 : i32 to vector<16xi32>
        %mul3A_1005 = arith.muli %iota3A, %mul3A_1004 : vector<16xi32>
        %mul3A_1006 = arith.constant 8 : i32
        %mul3A_1007 = arith.muli %add3A_849, %mul3A_1006 : i32
        %add3A_1008 = arith.constant 3 : i32
        %add3A_1009 = arith.addi %mul3A_1007, %add3A_1008 : i32
        %add3A_1010 = vector.broadcast %add3A_1009 : i32 to vector<16xi32>
        %add3A_1011 = arith.addi %mul3A_1005, %add3A_1010 : vector<16xi32>
        %gather3A_1012 = arith.constant 11 : i32
        %gather3A_1013 = arith.constant 0 : i32
        %gather3A_1014 = arith.constant 0 : i32
        %gather3A_1015 = tpu.memref_slice %arg6[%gather3A_1012, %gather3A_1013, %gather3A_1014] : memref<16x32x128xf32, #tpu.memory_space<vmem>> -> memref<1x32x128xf32, #tpu.memory_space<vmem>>
        %gather3A_1016 = tpu.memref_squeeze %gather3A_1015 : memref<1x32x128xf32, #tpu.memory_space<vmem>> -> memref<32x128xf32, #tpu.memory_space<vmem>>
        %gather3A_1017 = tpu.vector_load_idx %gather3A_1016[%iota3A, %add3A_1002] : memref<32x128xf32, #tpu.memory_space<vmem>>[vector<16xi32>, vector<16xi32>], vector<16xf32>,
        %add3A_1018 = arith.constant 16 : i32
        %add3A_1019 = vector.broadcast %add3A_1018 : i32 to vector<16xi32>
        %add3A_1020 = arith.addi %iota3A, %add3A_1019 : vector<16xi32>
        %gather3A_1021 = arith.constant 11 : i32
        %gather3A_1022 = arith.constant 0 : i32
        %gather3A_1023 = arith.constant 0 : i32
        %gather3A_1024 = tpu.memref_slice %arg6[%gather3A_1021, %gather3A_1022, %gather3A_1023] : memref<16x32x128xf32, #tpu.memory_space<vmem>> -> memref<1x32x128xf32, #tpu.memory_space<vmem>>
        %gather3A_1025 = tpu.memref_squeeze %gather3A_1024 : memref<1x32x128xf32, #tpu.memory_space<vmem>> -> memref<32x128xf32, #tpu.memory_space<vmem>>
        %gather3A_1026 = tpu.vector_load_idx %gather3A_1025[%add3A_1020, %add3A_1002] : memref<32x128xf32, #tpu.memory_space<vmem>>[vector<16xi32>, vector<16xi32>], vector<16xf32>,
        tpu.vector_store_idx %arg7[%iota3A, %add3A_1011], %gather3A_1017 : memref<32x512xf32, #tpu.memory_space<vmem>>[vector<16xi32>, vector<16xi32>], vector<16xf32>,
        %add3A_1027 = arith.constant 16 : i32
        %add3A_1028 = vector.broadcast %add3A_1027 : i32 to vector<16xi32>
        %add3A_1029 = arith.addi %iota3A, %add3A_1028 : vector<16xi32>
        tpu.vector_store_idx %arg7[%add3A_1029, %add3A_1011], %gather3A_1026 : memref<32x512xf32, #tpu.memory_space<vmem>>[vector<16xi32>, vector<16xi32>], vector<16xf32>,
        %eq3A_1030 = arith.constant 4 : i32
        %eq3A_1031 = vector.broadcast %eq3A_1030 : i32 to vector<16xi32>
        %eq3A_1032 = arith.cmpi eq, %iota3A, %eq3A_1031 : vector<16xi32>
        %jit3A_1033 = arith.constant 0 : i32
        %broadcast_in_dim3A_1034 = vector.broadcast %jit3A_1033 : i32 to vector<16xi32>
        %select_n3A_1035 = arith.select %eq3A_1032, %get3A_853, %broadcast_in_dim3A_1034 : vector<16xi1>, vector<16xi32>
        %reduce_sum3A_1036 = arith.constant true
        %reduce_sum3A_1037 = vector.broadcast %reduce_sum3A_1036 : i1 to vector<16xi1>
        %reduce_sum3A_1038 = tpu.scan <sum>, %select_n3A_1035 masked %reduce_sum3A_1037 : vector<16xi32>, vector<16xi1> -> vector<16xi32>
        %reduce_sum3A_1039 = vector.extract %reduce_sum3A_1038[15] : i32 from vector<16xi32>
        %and3A_1040 = arith.constant 127 : i32
        %and3A_1041 = arith.andi %reduce_sum3A_1039, %and3A_1040 : i32
        %mul3A_1042 = arith.constant 0 : i32
        %mul3A_1043 = vector.broadcast %mul3A_1042 : i32 to vector<16xi32>
        %mul3A_1044 = arith.muli %iota3A, %mul3A_1043 : vector<16xi32>
        %add3A_1045 = vector.broadcast %and3A_1041 : i32 to vector<16xi32>
        %add3A_1046 = arith.addi %mul3A_1044, %add3A_1045 : vector<16xi32>
        %mul3A_1047 = arith.constant 0 : i32
        %mul3A_1048 = vector.broadcast %mul3A_1047 : i32 to vector<16xi32>
        %mul3A_1049 = arith.muli %iota3A, %mul3A_1048 : vector<16xi32>
        %mul3A_1050 = arith.constant 8 : i32
        %mul3A_1051 = arith.muli %add3A_849, %mul3A_1050 : i32
        %add3A_1052 = arith.constant 4 : i32
        %add3A_1053 = arith.addi %mul3A_1051, %add3A_1052 : i32
        %add3A_1054 = vector.broadcast %add3A_1053 : i32 to vector<16xi32>
        %add3A_1055 = arith.addi %mul3A_1049, %add3A_1054 : vector<16xi32>
        %gather3A_1056 = arith.constant 12 : i32
        %gather3A_1057 = arith.constant 0 : i32
        %gather3A_1058 = arith.constant 0 : i32
        %gather3A_1059 = tpu.memref_slice %arg6[%gather3A_1056, %gather3A_1057, %gather3A_1058] : memref<16x32x128xf32, #tpu.memory_space<vmem>> -> memref<1x32x128xf32, #tpu.memory_space<vmem>>
        %gather3A_1060 = tpu.memref_squeeze %gather3A_1059 : memref<1x32x128xf32, #tpu.memory_space<vmem>> -> memref<32x128xf32, #tpu.memory_space<vmem>>
        %gather3A_1061 = tpu.vector_load_idx %gather3A_1060[%iota3A, %add3A_1046] : memref<32x128xf32, #tpu.memory_space<vmem>>[vector<16xi32>, vector<16xi32>], vector<16xf32>,
        %add3A_1062 = arith.constant 16 : i32
        %add3A_1063 = vector.broadcast %add3A_1062 : i32 to vector<16xi32>
        %add3A_1064 = arith.addi %iota3A, %add3A_1063 : vector<16xi32>
        %gather3A_1065 = arith.constant 12 : i32
        %gather3A_1066 = arith.constant 0 : i32
        %gather3A_1067 = arith.constant 0 : i32
        %gather3A_1068 = tpu.memref_slice %arg6[%gather3A_1065, %gather3A_1066, %gather3A_1067] : memref<16x32x128xf32, #tpu.memory_space<vmem>> -> memref<1x32x128xf32, #tpu.memory_space<vmem>>
        %gather3A_1069 = tpu.memref_squeeze %gather3A_1068 : memref<1x32x128xf32, #tpu.memory_space<vmem>> -> memref<32x128xf32, #tpu.memory_space<vmem>>
        %gather3A_1070 = tpu.vector_load_idx %gather3A_1069[%add3A_1064, %add3A_1046] : memref<32x128xf32, #tpu.memory_space<vmem>>[vector<16xi32>, vector<16xi32>], vector<16xf32>,
        tpu.vector_store_idx %arg7[%iota3A, %add3A_1055], %gather3A_1061 : memref<32x512xf32, #tpu.memory_space<vmem>>[vector<16xi32>, vector<16xi32>], vector<16xf32>,
        %add3A_1071 = arith.constant 16 : i32
        %add3A_1072 = vector.broadcast %add3A_1071 : i32 to vector<16xi32>
        %add3A_1073 = arith.addi %iota3A, %add3A_1072 : vector<16xi32>
        tpu.vector_store_idx %arg7[%add3A_1073, %add3A_1055], %gather3A_1070 : memref<32x512xf32, #tpu.memory_space<vmem>>[vector<16xi32>, vector<16xi32>], vector<16xf32>,
        %eq3A_1074 = arith.constant 5 : i32
        %eq3A_1075 = vector.broadcast %eq3A_1074 : i32 to vector<16xi32>
        %eq3A_1076 = arith.cmpi eq, %iota3A, %eq3A_1075 : vector<16xi32>
        %jit3A_1077 = arith.constant 0 : i32
        %broadcast_in_dim3A_1078 = vector.broadcast %jit3A_1077 : i32 to vector<16xi32>
        %select_n3A_1079 = arith.select %eq3A_1076, %get3A_853, %broadcast_in_dim3A_1078 : vector<16xi1>, vector<16xi32>
        %reduce_sum3A_1080 = arith.constant true
        %reduce_sum3A_1081 = vector.broadcast %reduce_sum3A_1080 : i1 to vector<16xi1>
        %reduce_sum3A_1082 = tpu.scan <sum>, %select_n3A_1079 masked %reduce_sum3A_1081 : vector<16xi32>, vector<16xi1> -> vector<16xi32>
        %reduce_sum3A_1083 = vector.extract %reduce_sum3A_1082[15] : i32 from vector<16xi32>
        %and3A_1084 = arith.constant 127 : i32
        %and3A_1085 = arith.andi %reduce_sum3A_1083, %and3A_1084 : i32
        %mul3A_1086 = arith.constant 0 : i32
        %mul3A_1087 = vector.broadcast %mul3A_1086 : i32 to vector<16xi32>
        %mul3A_1088 = arith.muli %iota3A, %mul3A_1087 : vector<16xi32>
        %add3A_1089 = vector.broadcast %and3A_1085 : i32 to vector<16xi32>
        %add3A_1090 = arith.addi %mul3A_1088, %add3A_1089 : vector<16xi32>
        %mul3A_1091 = arith.constant 0 : i32
        %mul3A_1092 = vector.broadcast %mul3A_1091 : i32 to vector<16xi32>
        %mul3A_1093 = arith.muli %iota3A, %mul3A_1092 : vector<16xi32>
        %mul3A_1094 = arith.constant 8 : i32
        %mul3A_1095 = arith.muli %add3A_849, %mul3A_1094 : i32
        %add3A_1096 = arith.constant 5 : i32
        %add3A_1097 = arith.addi %mul3A_1095, %add3A_1096 : i32
        %add3A_1098 = vector.broadcast %add3A_1097 : i32 to vector<16xi32>
        %add3A_1099 = arith.addi %mul3A_1093, %add3A_1098 : vector<16xi32>
        %gather3A_1100 = arith.constant 13 : i32
        %gather3A_1101 = arith.constant 0 : i32
        %gather3A_1102 = arith.constant 0 : i32
        %gather3A_1103 = tpu.memref_slice %arg6[%gather3A_1100, %gather3A_1101, %gather3A_1102] : memref<16x32x128xf32, #tpu.memory_space<vmem>> -> memref<1x32x128xf32, #tpu.memory_space<vmem>>
        %gather3A_1104 = tpu.memref_squeeze %gather3A_1103 : memref<1x32x128xf32, #tpu.memory_space<vmem>> -> memref<32x128xf32, #tpu.memory_space<vmem>>
        %gather3A_1105 = tpu.vector_load_idx %gather3A_1104[%iota3A, %add3A_1090] : memref<32x128xf32, #tpu.memory_space<vmem>>[vector<16xi32>, vector<16xi32>], vector<16xf32>,
        %add3A_1106 = arith.constant 16 : i32
        %add3A_1107 = vector.broadcast %add3A_1106 : i32 to vector<16xi32>
        %add3A_1108 = arith.addi %iota3A, %add3A_1107 : vector<16xi32>
        %gather3A_1109 = arith.constant 13 : i32
        %gather3A_1110 = arith.constant 0 : i32
        %gather3A_1111 = arith.constant 0 : i32
        %gather3A_1112 = tpu.memref_slice %arg6[%gather3A_1109, %gather3A_1110, %gather3A_1111] : memref<16x32x128xf32, #tpu.memory_space<vmem>> -> memref<1x32x128xf32, #tpu.memory_space<vmem>>
        %gather3A_1113 = tpu.memref_squeeze %gather3A_1112 : memref<1x32x128xf32, #tpu.memory_space<vmem>> -> memref<32x128xf32, #tpu.memory_space<vmem>>
        %gather3A_1114 = tpu.vector_load_idx %gather3A_1113[%add3A_1108, %add3A_1090] : memref<32x128xf32, #tpu.memory_space<vmem>>[vector<16xi32>, vector<16xi32>], vector<16xf32>,
        tpu.vector_store_idx %arg7[%iota3A, %add3A_1099], %gather3A_1105 : memref<32x512xf32, #tpu.memory_space<vmem>>[vector<16xi32>, vector<16xi32>], vector<16xf32>,
        %add3A_1115 = arith.constant 16 : i32
        %add3A_1116 = vector.broadcast %add3A_1115 : i32 to vector<16xi32>
        %add3A_1117 = arith.addi %iota3A, %add3A_1116 : vector<16xi32>
        tpu.vector_store_idx %arg7[%add3A_1117, %add3A_1099], %gather3A_1114 : memref<32x512xf32, #tpu.memory_space<vmem>>[vector<16xi32>, vector<16xi32>], vector<16xf32>,
        %eq3A_1118 = arith.constant 6 : i32
        %eq3A_1119 = vector.broadcast %eq3A_1118 : i32 to vector<16xi32>
        %eq3A_1120 = arith.cmpi eq, %iota3A, %eq3A_1119 : vector<16xi32>
        %jit3A_1121 = arith.constant 0 : i32
        %broadcast_in_dim3A_1122 = vector.broadcast %jit3A_1121 : i32 to vector<16xi32>
        %select_n3A_1123 = arith.select %eq3A_1120, %get3A_853, %broadcast_in_dim3A_1122 : vector<16xi1>, vector<16xi32>
        %reduce_sum3A_1124 = arith.constant true
        %reduce_sum3A_1125 = vector.broadcast %reduce_sum3A_1124 : i1 to vector<16xi1>
        %reduce_sum3A_1126 = tpu.scan <sum>, %select_n3A_1123 masked %reduce_sum3A_1125 : vector<16xi32>, vector<16xi1> -> vector<16xi32>
        %reduce_sum3A_1127 = vector.extract %reduce_sum3A_1126[15] : i32 from vector<16xi32>
        %and3A_1128 = arith.constant 127 : i32
        %and3A_1129 = arith.andi %reduce_sum3A_1127, %and3A_1128 : i32
        %mul3A_1130 = arith.constant 0 : i32
        %mul3A_1131 = vector.broadcast %mul3A_1130 : i32 to vector<16xi32>
        %mul3A_1132 = arith.muli %iota3A, %mul3A_1131 : vector<16xi32>
        %add3A_1133 = vector.broadcast %and3A_1129 : i32 to vector<16xi32>
        %add3A_1134 = arith.addi %mul3A_1132, %add3A_1133 : vector<16xi32>
        %mul3A_1135 = arith.constant 0 : i32
        %mul3A_1136 = vector.broadcast %mul3A_1135 : i32 to vector<16xi32>
        %mul3A_1137 = arith.muli %iota3A, %mul3A_1136 : vector<16xi32>
        %mul3A_1138 = arith.constant 8 : i32
        %mul3A_1139 = arith.muli %add3A_849, %mul3A_1138 : i32
        %add3A_1140 = arith.constant 6 : i32
        %add3A_1141 = arith.addi %mul3A_1139, %add3A_1140 : i32
        %add3A_1142 = vector.broadcast %add3A_1141 : i32 to vector<16xi32>
        %add3A_1143 = arith.addi %mul3A_1137, %add3A_1142 : vector<16xi32>
        %gather3A_1144 = arith.constant 14 : i32
        %gather3A_1145 = arith.constant 0 : i32
        %gather3A_1146 = arith.constant 0 : i32
        %gather3A_1147 = tpu.memref_slice %arg6[%gather3A_1144, %gather3A_1145, %gather3A_1146] : memref<16x32x128xf32, #tpu.memory_space<vmem>> -> memref<1x32x128xf32, #tpu.memory_space<vmem>>
        %gather3A_1148 = tpu.memref_squeeze %gather3A_1147 : memref<1x32x128xf32, #tpu.memory_space<vmem>> -> memref<32x128xf32, #tpu.memory_space<vmem>>
        %gather3A_1149 = tpu.vector_load_idx %gather3A_1148[%iota3A, %add3A_1134] : memref<32x128xf32, #tpu.memory_space<vmem>>[vector<16xi32>, vector<16xi32>], vector<16xf32>,
        %add3A_1150 = arith.constant 16 : i32
        %add3A_1151 = vector.broadcast %add3A_1150 : i32 to vector<16xi32>
        %add3A_1152 = arith.addi %iota3A, %add3A_1151 : vector<16xi32>
        %gather3A_1153 = arith.constant 14 : i32
        %gather3A_1154 = arith.constant 0 : i32
        %gather3A_1155 = arith.constant 0 : i32
        %gather3A_1156 = tpu.memref_slice %arg6[%gather3A_1153, %gather3A_1154, %gather3A_1155] : memref<16x32x128xf32, #tpu.memory_space<vmem>> -> memref<1x32x128xf32, #tpu.memory_space<vmem>>
        %gather3A_1157 = tpu.memref_squeeze %gather3A_1156 : memref<1x32x128xf32, #tpu.memory_space<vmem>> -> memref<32x128xf32, #tpu.memory_space<vmem>>
        %gather3A_1158 = tpu.vector_load_idx %gather3A_1157[%add3A_1152, %add3A_1134] : memref<32x128xf32, #tpu.memory_space<vmem>>[vector<16xi32>, vector<16xi32>], vector<16xf32>,
        tpu.vector_store_idx %arg7[%iota3A, %add3A_1143], %gather3A_1149 : memref<32x512xf32, #tpu.memory_space<vmem>>[vector<16xi32>, vector<16xi32>], vector<16xf32>,
        %add3A_1159 = arith.constant 16 : i32
        %add3A_1160 = vector.broadcast %add3A_1159 : i32 to vector<16xi32>
        %add3A_1161 = arith.addi %iota3A, %add3A_1160 : vector<16xi32>
        tpu.vector_store_idx %arg7[%add3A_1161, %add3A_1143], %gather3A_1158 : memref<32x512xf32, #tpu.memory_space<vmem>>[vector<16xi32>, vector<16xi32>], vector<16xf32>,
        %eq3A_1162 = arith.constant 7 : i32
        %eq3A_1163 = vector.broadcast %eq3A_1162 : i32 to vector<16xi32>
        %eq3A_1164 = arith.cmpi eq, %iota3A, %eq3A_1163 : vector<16xi32>
        %jit3A_1165 = arith.constant 0 : i32
        %broadcast_in_dim3A_1166 = vector.broadcast %jit3A_1165 : i32 to vector<16xi32>
        %select_n3A_1167 = arith.select %eq3A_1164, %get3A_853, %broadcast_in_dim3A_1166 : vector<16xi1>, vector<16xi32>
        %reduce_sum3A_1168 = arith.constant true
        %reduce_sum3A_1169 = vector.broadcast %reduce_sum3A_1168 : i1 to vector<16xi1>
        %reduce_sum3A_1170 = tpu.scan <sum>, %select_n3A_1167 masked %reduce_sum3A_1169 : vector<16xi32>, vector<16xi1> -> vector<16xi32>
        %reduce_sum3A_1171 = vector.extract %reduce_sum3A_1170[15] : i32 from vector<16xi32>
        %and3A_1172 = arith.constant 127 : i32
        %and3A_1173 = arith.andi %reduce_sum3A_1171, %and3A_1172 : i32
        %mul3A_1174 = arith.constant 0 : i32
        %mul3A_1175 = vector.broadcast %mul3A_1174 : i32 to vector<16xi32>
        %mul3A_1176 = arith.muli %iota3A, %mul3A_1175 : vector<16xi32>
        %add3A_1177 = vector.broadcast %and3A_1173 : i32 to vector<16xi32>
        %add3A_1178 = arith.addi %mul3A_1176, %add3A_1177 : vector<16xi32>
        %mul3A_1179 = arith.constant 0 : i32
        %mul3A_1180 = vector.broadcast %mul3A_1179 : i32 to vector<16xi32>
        %mul3A_1181 = arith.muli %iota3A, %mul3A_1180 : vector<16xi32>
        %mul3A_1182 = arith.constant 8 : i32
        %mul3A_1183 = arith.muli %add3A_849, %mul3A_1182 : i32
        %add3A_1184 = arith.constant 7 : i32
        %add3A_1185 = arith.addi %mul3A_1183, %add3A_1184 : i32
        %add3A_1186 = vector.broadcast %add3A_1185 : i32 to vector<16xi32>
        %add3A_1187 = arith.addi %mul3A_1181, %add3A_1186 : vector<16xi32>
        %gather3A_1188 = arith.constant 15 : i32
        %gather3A_1189 = arith.constant 0 : i32
        %gather3A_1190 = arith.constant 0 : i32
        %gather3A_1191 = tpu.memref_slice %arg6[%gather3A_1188, %gather3A_1189, %gather3A_1190] : memref<16x32x128xf32, #tpu.memory_space<vmem>> -> memref<1x32x128xf32, #tpu.memory_space<vmem>>
        %gather3A_1192 = tpu.memref_squeeze %gather3A_1191 : memref<1x32x128xf32, #tpu.memory_space<vmem>> -> memref<32x128xf32, #tpu.memory_space<vmem>>
        %gather3A_1193 = tpu.vector_load_idx %gather3A_1192[%iota3A, %add3A_1178] : memref<32x128xf32, #tpu.memory_space<vmem>>[vector<16xi32>, vector<16xi32>], vector<16xf32>,
        %add3A_1194 = arith.constant 16 : i32
        %add3A_1195 = vector.broadcast %add3A_1194 : i32 to vector<16xi32>
        %add3A_1196 = arith.addi %iota3A, %add3A_1195 : vector<16xi32>
        %gather3A_1197 = arith.constant 15 : i32
        %gather3A_1198 = arith.constant 0 : i32
        %gather3A_1199 = arith.constant 0 : i32
        %gather3A_1200 = tpu.memref_slice %arg6[%gather3A_1197, %gather3A_1198, %gather3A_1199] : memref<16x32x128xf32, #tpu.memory_space<vmem>> -> memref<1x32x128xf32, #tpu.memory_space<vmem>>
        %gather3A_1201 = tpu.memref_squeeze %gather3A_1200 : memref<1x32x128xf32, #tpu.memory_space<vmem>> -> memref<32x128xf32, #tpu.memory_space<vmem>>
        %gather3A_1202 = tpu.vector_load_idx %gather3A_1201[%add3A_1196, %add3A_1178] : memref<32x128xf32, #tpu.memory_space<vmem>>[vector<16xi32>, vector<16xi32>], vector<16xf32>,
        tpu.vector_store_idx %arg7[%iota3A, %add3A_1187], %gather3A_1193 : memref<32x512xf32, #tpu.memory_space<vmem>>[vector<16xi32>, vector<16xi32>], vector<16xf32>,
        %add3A_1203 = arith.constant 16 : i32
        %add3A_1204 = vector.broadcast %add3A_1203 : i32 to vector<16xi32>
        %add3A_1205 = arith.addi %iota3A, %add3A_1204 : vector<16xi32>
        tpu.vector_store_idx %arg7[%add3A_1205, %add3A_1187], %gather3A_1202 : memref<32x512xf32, #tpu.memory_space<vmem>>[vector<16xi32>, vector<16xi32>], vector<16xf32>,
      } else {
      }
    }
    %scan3A_225 = arith.constant 32 : i32
    "tpu.region"() ({
      %run_scoped3A = tpu.sem_alloc : memref<!tpu.dma_semaphore, #tpu.memory_space<semaphore_mem>>
      %dma_start3A_226 = arith.constant 0 : i32
      %dma_start3A_227 = tpu.memref_slice %arg4[%dma_start3A_226, %multiple_of3A] : memref<32x16384xf32, #tpu.memory_space<hbm>> -> memref<32x512xf32, #tpu.memory_space<hbm>>
      %dma_start3A_228 = arith.constant 0 : i32
      %dma_start3A_229 = tpu.memref_slice %arg4[%dma_start3A_228, %multiple_of3A] : memref<32x16384xf32, #tpu.memory_space<hbm>> -> memref<32x512xf32, #tpu.memory_space<hbm>>
      tpu.enqueue_dma source(%arg7 : memref<32x512xf32, #tpu.memory_space<vmem>>) target(%dma_start3A_229 : memref<32x512xf32, #tpu.memory_space<hbm>>) target_semaphore(%run_scoped3A : memref<!tpu.dma_semaphore, #tpu.memory_space<semaphore_mem>>)
      %dma_wait3A = arith.constant 0 : i32
      %dma_wait3A_230 = tpu.memref_slice %arg4[%dma_wait3A, %multiple_of3A] : memref<32x16384xf32, #tpu.memory_space<hbm>> -> memref<32x512xf32, #tpu.memory_space<hbm>>
      %dma_wait3A_231 = arith.constant 0 : i32
      %dma_wait3A_232 = tpu.memref_slice %arg4[%dma_wait3A_231, %multiple_of3A] : memref<32x16384xf32, #tpu.memory_space<hbm>> -> memref<32x512xf32, #tpu.memory_space<hbm>>
      tpu.wait_dma2 semaphore(%run_scoped3A : memref<!tpu.dma_semaphore, #tpu.memory_space<semaphore_mem>>) src(%arg7 : memref<32x512xf32, #tpu.memory_space<vmem>>) dst(%dma_wait3A_232 : memref<32x512xf32, #tpu.memory_space<hbm>>)
      tpu.yield
    }) : () -> ()
    return
  }
}

</mosaic_0001>

<sc_bundles>
// kernel: kernel.3.cloned.1.call-start
scs
__scs_entry_jumppad:
0x0: {  	(pc) =	sbr.rel $0x88, $3  }
0x1: {  	(tag) =	ssettag $0x0;
	lr =	simm.s32 $0x1  }
0x2: {  	[smem:$0x3F9F] =	sst lr;
	_ =	strace $0xD0000000  }
0x3: {  	_ = 	snop  }
0x4: {  	_ = 	snop  }
0x5: {  	_ = 	snop  }
0x6: {  	_ = 	snop  }
0x7: {  	_ = 	snop  }
__scs_overlays_trampoline_lowered:
0x8: {  	[smem:$0x3FAE] =	sst s0  }
0x9: {  	[smem:$0x3FAF] =	sst s1  }
0xa: {  	[smem:$0x3FB0] =	sst s2  }
0xb: {  	[smem:$0x3FB1] =	sst s3  }
0xc: {  	[smem:$0x3FB2] =	sst s4  }
0xd: {  	[smem:$0x3FB3] =	sst s5  }
0xe: {  	[smem:$0x3FB4] =	sst s6  }
0xf: {  	[smem:$0x3FB5] =	sst s7  }
0x10: {  	[smem:$0x3FB6] =	sst s8  }
0x11: {  	[smem:$0x3FB7] =	sst s9;
	s0 =	simm.s32 @!p0 $0x0  }
0x12: {  	s1 =	sld [smem:$0x3F9D];
	s0 =	simm.s32 @p0 $0x1  }
0x13: {  	[smem:$0x3FB8] =	sst s0;
	s0 =	simm.s32 @!p1 $0x0  }
0x14: {  	s2 =	sld [smem:$0x3F9C];
	s0 =	simm.s32 @p1 $0x1  }
0x15: {  	[smem:$0x3FB9] =	sst s0;
	s0 =	simm.s32 @!p2 $0x0  }
0x16: {  	s3 =	sld [smem:$0x3FDB];
	s0 =	simm.s32 @p2 $0x1  }
0x17: {  	s4 =	simm.s32 $0x1BF5;
	[smem:$0x3FBB] =	sst s0  }
0x18: {  	s0 =	sld [smem:$0x3F9E];
	_ =	swait.ge [sflag:s4], $0x0  }
0x19: {  	s7 =	sld [smem:$0x3F9F]  }
0x1a: {  	s8 =	sadd.s32 $0xFFFFE003, lr  }
0x1b: {  	s9 =	sadd.s32 $0xFFFFFEF7, lr;
	s5 =	simm.s32 $0xFFFFFFFF;
	p2 =	slt.u32 s8, $0xFFFFF086  }
0x1c: {  	p1 =	slt.u32 s9, $0xF7A;
	s5 =	simm.s32 @!p2 $0x0  }
0x1d: {  	s5 =	simm.s32 @p1 $0x1;
	p0 =	seq.s32 s7, s2  }
0x1e: {  	s7 =	smul.u32 @!p0 $0xF7A, s2;
	p2 =	seq.s32 @!p0 s5, $0x0  }
0x1f: {  	s9 =	smul.u32 $0xF7A, s1;
	s8 =	simm.s32 @!p0 $0x1BF5;
	p2 =	por !p2, p0  }
0x20: {  	[sflag:s8] =	ssyncset.s32 @!p0 $0xFFFFF086;
	s6 =	sadd.s32 @!p0 s3, s7;
	s7 =	simm.s32 @!p0 $0x108  }
0x21: {  	s3 =	sadd.s32 s3, s9;
	s6 =	sadd.s32 @!p0 $0x88, s6;
	s7 =	simm.s32 @p2 $0x1082  }
0x22: {  	[simem:s7], [sflag:s8] =	dma.local @!p0 [hbm:s6], $0xF7A  }
0x23: {  	s9 =	sor.u32 $0xD0000000, s2;
	s6 =	simm.s32 $0x108;
	_ =	swait.ge @!p0 [sflag:s8], $0x0  }
0x24: {  	s3 =	sadd.s32 $0x88, s3;
	s6 =	simm.s32 @!p1 $0x1082;
	[sflag:s4] =	ssyncset.s32 $0xFFFFF086  }
0x25: {  	[simem:s6], [sflag:s4] =	dma.local [hbm:s3], $0xF7A  }
0x26: {  	[smem:$0x3F9F] =	sst s1;
	(tag) =	ssettag s2;
	_ =	strace s9  }
0x27: {  	s1 =	sld [smem:$0x3FAF]  }
0x28: {  	s2 =	sld [smem:$0x3FB0]  }
0x29: {  	s4 =	sld [smem:$0x3FB2]  }
0x2a: {  	p0 =	seq.s32 s5, $0x0;
	s5 =	sld [smem:$0x3FB3]  }
0x2b: {  	s6 =	sld [smem:$0x3FB4]  }
0x2c: {  	s7 =	sld [smem:$0x3FB5]  }
0x2d: {  	s3 =	simm.s32 $0x108;
	s8 =	sld [smem:$0x3FB6]  }
0x2e: {  	s3 =	simm.s32 @!p0 $0x1082;
	s9 =	sld [smem:$0x3FB7]  }
0x2f: {  	lr =	sadd.s32 s0, s3;
	s0 =	sld [smem:$0x3FAE]  }
0x30: {  	s3 =	sld [smem:$0x3FB1]  }
0x31: {  	[smem:$0x3FBA] =	sst s10  }
0x32: {  	s10 =	sld [smem:$0x3FB8];
	_ =	sdelay $0x3  }
0x33: {  	p0 =	seq.s32 s10, $0x1;
	s10 =	sld [smem:$0x3FBA];
	_ =	sdelay $0x3  }
0x34: {  	[smem:$0x3FBA] =	sst s10  }
0x35: {  	s10 =	sld [smem:$0x3FB9];
	_ =	sdelay $0x3  }
0x36: {  	p1 =	seq.s32 s10, $0x1;
	s10 =	sld [smem:$0x3FBA];
	_ =	sdelay $0x3  }
0x37: {  	[smem:$0x3FBA] =	sst s10  }
0x38: {  	s10 =	sld [smem:$0x3FBB]  }
0x39: {  	_ = 	snop;
	(pc) =	sbr.ind lr, $3  }
0x3a: {  	_ = 	snop  }
0x3b: {  	_ = 	snop  }
0x3c: {  	p2 =	seq.s32 s10, $0x1;
	s10 =	sld [smem:$0x3FBA]  }
0x3d: {  	_ =	shalt  }
0x3e: {  	_ =	shalt  }
0x3f: {  	_ =	shalt  }
0x40: {  	_ =	shalt  }
0x41: {  	_ =	shalt  }
0x42: {  	_ =	shalt  }
0x43: {  	_ =	shalt  }
0x44: {  	_ =	shalt  }
0x45: {  	_ =	shalt  }
0x46: {  	_ =	shalt  }
0x47: {  	_ =	shalt  }
0x48: {  	_ =	shalt  }
0x49: {  	_ =	shalt  }
0x4a: {  	_ =	shalt  }
0x4b: {  	_ =	shalt  }
0x4c: {  	_ =	shalt  }
0x4d: {  	_ =	shalt  }
0x4e: {  	_ =	shalt  }
0x4f: {  	_ =	shalt  }
0x50: {  	_ =	shalt  }
0x51: {  	_ =	shalt  }
0x52: {  	_ =	shalt  }
0x53: {  	_ =	shalt  }
0x54: {  	_ =	shalt  }
0x55: {  	_ =	shalt  }
0x56: {  	_ =	shalt  }
0x57: {  	_ =	shalt  }
0x58: {  	_ =	shalt  }
0x59: {  	_ =	shalt  }
0x5a: {  	_ =	shalt  }
0x5b: {  	_ =	shalt  }
0x5c: {  	_ =	shalt  }
0x5d: {  	_ =	shalt  }
0x5e: {  	_ =	shalt  }
0x5f: {  	_ =	shalt  }
0x60: {  	_ =	shalt  }
0x61: {  	_ =	shalt  }
0x62: {  	_ =	shalt  }
0x63: {  	_ =	shalt  }
0x64: {  	_ =	shalt  }
0x65: {  	_ =	shalt  }
0x66: {  	_ =	shalt  }
0x67: {  	_ =	shalt  }
0x68: {  	_ =	shalt  }
0x69: {  	_ =	shalt  }
0x6a: {  	_ =	shalt  }
0x6b: {  	_ =	shalt  }
0x6c: {  	_ =	shalt  }
0x6d: {  	_ =	shalt  }
0x6e: {  	_ =	shalt  }
0x6f: {  	_ =	shalt  }
0x70: {  	_ =	shalt  }
0x71: {  	_ =	shalt  }
0x72: {  	_ =	shalt  }
0x73: {  	_ =	shalt  }
0x74: {  	_ =	shalt  }
0x75: {  	_ =	shalt  }
0x76: {  	_ =	shalt  }
0x77: {  	_ =	shalt  }
0x78: {  	_ =	shalt  }
0x79: {  	_ =	shalt  }
0x7a: {  	_ =	shalt  }
0x7b: {  	_ =	shalt  }
0x7c: {  	_ =	shalt  }
0x7d: {  	_ =	shalt  }
0x7e: {  	_ =	shalt  }
0x7f: {  	_ =	shalt  }
0x80: {  	_ =	shalt  }
0x81: {  	_ =	shalt  }
0x82: {  	_ =	shalt  }
0x83: {  	_ =	shalt  }
0x84: {  	_ =	shalt  }
0x85: {  	_ =	shalt  }
0x86: {  	_ =	shalt  }
0x87: {  	_ =	shalt  }
.Lfunc_end0:
.L_simem_size_0:
called_computation_lowered:
.L_overlay_start_0:
0x88: {  	s2 =	sld [smem:$0x3FD9]  }
0x89: {  	s3 =	sld [smem:$0x3FFE];
	_ =	sdelay $0x1  }
0x8a: {  	s1 =	srdreg.scid  }
0x8b: {  	s0 =	sand.u32 $0x1, s1  }
0x8c: {  	s17 =	sshll.u32 s0, $0xA;
	s2 =	sadd.s32 s3, s2  }
0x8d: {  	s2 =	sadd.s32 s2, s17  }
0x8e: {  	[smem:$0x3FC6] =	sst s2  }
0x8f: {  	_ = 	snop  }
0x90: {  	s2 =	sld [smem:$0x3FC8]  }
0x91: {  	s18 =	sld [smem:$0x3FD0];
	(tm) =	ssettm $0x1  }
0x92: {  	s4 =	sld [smem:$0x3FFB];
	_ =	sdelay $0x3  }
0x93: {  	_ =	strace s4  }
0x94: {  	s4 =	sld [smem:$0x3FFC];
	_ =	sdelay $0x3  }
0x95: {  	_ =	strace s4  }
0x96: {  	s4 =	sld [smem:$0x3FFD];
	_ =	sdelay $0x3  }
0x97: {  	_ =	strace s4  }
0x98: {  	_ =	strace $0x8FFFFFFF  }
0x99: {  	s19 =	sld [smem:$0x3FDB];
	_ =	sdelay $0x1  }
0x9a: {  	s5 =	simm.s32 $_scs_section_size  }
0x9b: {  	s6 =	simm.s32 $_size__tile_overlayer_lowered;
	s7 =	simm.s32 $_tile_overlayer_lowered  }
0x9c: {  	s22 =	simm.s32 $0x1BFF;
	s21 =	sshll.u32 s7, $0x1;
	s4 =	sadd.s32 s5, s19  }
0x9d: {  	s8 =	simm.s32 $0x0;
	s20 =	sshll.u32 s6, $0x1;
	s6 =	sadd.s32 s21, s4  }
0x9e: {  	[timem:s8], [sflag:s22] =	dma.local [hbm:s6], s20  }
0x9f: {  	_ =	swait.ge [sflag:s22], s20  }
0xa0: {  	s5 =	ssub.s32 $0x0, s20;
	[sflag:s22] =	ssyncset.done $0x0  }
0xa1: {  	[sflag:s22] =	ssyncadd.s32 s5;
	_ =	sdelay $0x1  }
0xa2: {  	s23 =	simm.s32 $0x1B8B  }
0xa3: {  	_ =	swait.ge [sflag:s23], $0x1  }
0xa4: {  	[sflag:s23] =	ssyncset.done $0x0  }
0xa5: {  	s25 =	simm.s32 $0x1B8E;
	s24 =	sld [smem:$0x3FFE];
	[sflag:s23] =	ssyncadd.s32 $0xFFFFFFFF  }
0xa6: {  	s26 =	simm.s32 $execute0_lowered;
	[smem:$0x3FD2] =	sst s25  }
0xa7: {  	s6 =	sshll.u32 s26, $0x1;
	_ =	strace $0x80000046;
	[dreg:$0x1] =	wrdreg $0xFFFFFFFF  }
0xa8: {  	s28 =	simm.s32 $_size_execute0_lowered;
	s4 =	sadd.s32 s4, s6;
	[dreg:$0x0] =	wrdreg $0x0  }
0xa9: {  	s6 =	sshll.u32 s28, $0x1;
	[dreg:$0x2] =	wrdreg s4  }
0xaa: {  	[dreg:$0x3] =	wrdreg s6  }
0xab: {  	[dreg:$0x4] =	wrdreg $0xC0  }
0xac: {  	_ =	task [dreg:s8], $0x5FFFF  }
0xad: {  	[dreg:$0x1] =	wrdreg $0xFFFFFFFF  }
0xae: {  	[dreg:$0x0] =	wrdreg $0x60  }
0xaf: {  	[dreg:$0x2] =	wrdreg s2  }
0xb0: {  	[dreg:$0x3] =	wrdreg s24  }
0xb1: {  	[dreg:$0x4] =	wrdreg s18  }
0xb2: {  	[dreg:$0x5] =	wrdreg $0x9  }
0xb3: {  	_ =	task.clear_ibuf [dreg:s8], $0x6FFFF;
	_ =	strace $0x90000046  }
0xb4: {  	s29 =	simm.s32 $0x9;
	_ =	strace $0x80000048  }
0xb5: {  	_ =	swait.ge [sflag:s29], $0x1  }
0xb6: {  	[sflag:s29] =	ssyncadd.s32 $0xFFFFFFFF  }
0xb7: {  	_ =	strace $0x90000048  }
0xb8: {  	_ =	sfence  }
0xb9: {  	s30 =	sld [smem:$0x0];
	_ =	sdelay $0x2  }
0xba: {  	s31 =	sshll.u32 s1, $0xD;
	s1 =	sshrl.u32 s1, $0x2  }
0xbb: {  	s3 =	sand.u32 $0x4000, s31;
	s1 =	sadd.s32 s1, s30  }
0xbc: {  	s0 =	sor.u32 s3, s0;
	s1 =	sshll.u32 s1, $0x11  }
0xbd: {  	s0 =	sor.u32 s1, s0  }
0xbe: {  	s0 =	sadd.s32 $0x8F2B, s0  }
0xbf: {  	[sflag:s0] =	ssyncadd.remote.s32 $0x1  }
0xc0: {  	_ =	sfence.sel $0xFFFF  }
0xc1: {  	[dreg:$0x0] =	wrdreg $0xFFFFFFFF;
	(pc) =	sbr.abs _section_cstart, $3  }
0xc2: {  	[dreg:$0x1] =	wrdreg $0xFFFFFFFF  }
0xc3: {  	_ =	task.clear_ibuf [dreg:s8], $0x2FFFF;
	_ =	strace $0x9FFFFFFF  }
0xc4: {  	(tm) =	ssettm $0x7FFFFFFF  }
0xc5: {  	_ =	shalt  }
tec
execute0_lowered:
.L_overlay_start_1:
0x0: {  	(tag) =	ssettag $0x1  }
0x1: {  	vm0 =	vmmov $0x1  }
0x2: {  	vm1 =	vcmask $0x308;
	vm2 =	vcmask $0x70C;
	vm3 =	vcmask $0xB10  }
0x3: {  	vm4 =	vcmask $0xF14;
	vm5 =	vcmask $0x1318;
	v0 =	vlaneseq.u32  }
0x4: {  	v1 =	vimm.s32 $0x1380;
	vm6 =	vcmask $0x300;
	vm7 =	vcmask $0x704  }
0x5: {  	s0 =	rddreg [dreg:$0x0];
	v2 =	vimm.s32 $0x3380;
	vm8 =	vcmask $0x3B38;
	v0 =	vmul.u32 $0x80, v0  }
0x6: {  	s1 =	srdreg.scid;
	s2 =	rddreg [dreg:$0x1];
	v1 =	vsel vm6, $0x0, v1;
	v2 =	vsel vm6, $0x2000, v2;
	vm6 =	vcmask $0xB08  }
0x7: {  	s4 =	stileid.u32;
	s3 =	rddreg [dreg:$0x2];
	v1 =	vsel vm7, $0x80, v1;
	v2 =	vsel vm7, $0x2080, v2;
	vm7 =	vcmask $0xF0C  }
0x8: {  	s6 =	simm.s32 $0x0;
	s7 =	simm.s32 $0x400;
	s9 =	simm.s32 $0x7A1400;
	v1 =	vsel vm6, $0x100, v1;
	v2 =	vsel vm6, $0x2100, v2;
	vm6 =	vcmask $0x1310  }
0x9: {  	s8 =	simm.s32 $0x3;
	s10 =	simm.s32 $0x280;
	s11 =	simm.s32 $0x1280;
	v3 =	vor.u32 $0x800, v0;
	v1 =	vsel vm7, $0x180, v1;
	v2 =	vsel vm7, $0x2180, v2  }
0xa: {  	s12 =	simm.s32 $0x2280;
	s13 =	simm.s32 $0x3280;
	s14 =	simm.s32 $0x4280;
	vm7 =	vcmask $0x1714;
	v1 =	vsel vm6, $0x200, v1;
	v2 =	vsel vm6, $0x2200, v2  }
0xb: {  	s15 =	simm.s32 $0x5280;
	s16 =	simm.s32 $0x6280;
	s17 =	simm.s32 $0x7280;
	vm6 =	vcmask $0x1B18;
	v1 =	vsel vm7, $0x280, v1;
	v2 =	vsel vm7, $0x2280, v2  }
0xc: {  	s18 =	simm.s32 $0x8280;
	s19 =	simm.s32 $0x9280;
	s20 =	simm.s32 $0xA280;
	vm7 =	vcmask $0x1F1C;
	v1 =	vsel vm6, $0x300, v1;
	v2 =	vsel vm6, $0x2300, v2  }
0xd: {  	s21 =	simm.s32 $0xB280;
	s22 =	simm.s32 $0xC280;
	s23 =	simm.s32 $0xD280;
	vm6 =	vcmask $0x2320;
	v1 =	vsel vm7, $0x380, v1;
	v2 =	vsel vm7, $0x2380, v2  }
0xe: {  	s24 =	simm.s32 $0xE280;
	s25 =	simm.s32 $0xF280;
	s26 =	simm.s32 $0x1;
	vm7 =	vcmask $0x2724;
	v1 =	vsel vm6, $0x1000, v1;
	v2 =	vsel vm6, $0x3000, v2  }
0xf: {  	s28 =	simm.s32 $0x10280;
	s29 =	simm.s32 $0x2;
	s1 =	sand.u32 $0x1, s1;
	vm6 =	vcmask $0x2B28;
	v1 =	vsel vm7, $0x1080, v1;
	v2 =	vsel vm7, $0x3080, v2  }
.Ltmp0:
0x10: {  	s4 =	sshll.u32 s4, $0xA;
	s5 =	sshll.u32 s1, $0x9;
	vm7 =	vcmask $0x2F2C;
	v1 =	vsel vm6, $0x1100, v1;
	v2 =	vsel vm6, $0x3100, v2;
	(pc) =	sbr.rel .LBB2_1-.Ltmp0, $4  }
0x11: {  	[smem:$0x7FF] =	sst s6;
	s1 =	ssub.s32 $0x2, s1;
	s5 =	sor.u32 s5, s4;
	vm6 =	vcmask $0x3330;
	v1 =	vsel vm7, $0x1180, v1;
	v2 =	vsel vm7, $0x3180, v2  }
0x12: {  	_ =	strace $0x80000047;
	s31 =	sshrl.u32 s1, $0x1;
	s4 =	sshrl.u32 s5, $0x3;
	vm7 =	vcmask $0x3734;
	v1 =	vsel vm6, $0x1200, v1;
	v2 =	vsel vm6, $0x3200, v2  }
0x13: {  	s1 =	ssub.s32 s1, s31;
	s5 =	sadd.s32 s3, s5;
	s2 =	sadd.s32 s4, s2;
	vm6 =	vcmask $0x171C;
	v1 =	vsel vm7, $0x1280, v1;
	v2 =	vsel vm7, $0x3280, v2  }
0x14: {  	s6 =	smax.u32 s1, $0x1;
	s4 =	sadd.s32 $0x400, s2;
	s2 =	simm.s32 $0x0;
	vm7 =	vcmask $0x1B20;
	v1 =	vsel vm8, $0x1300, v1;
	v2 =	vsel vm8, $0x3300, v2  }
.LBB2_5:
0x15: {  	s2 =	sadd.s32 $0x1, s2  }
0x16: {  	p0 =	sne.s32 s2, s6  }
.Ltmp1:
0x17: {  	s1 =	simm.s32 $0x1000;
	s3 =	simm.s32 $0x20000;
	(pc) =	sbr.rel @!p0 .LBB2_6-.Ltmp1, $4  }
0x18: {  	[hbm4b:s5+s1] =	stream.strided.scatter [tilespmem:s28], [sflag:$0x3], $0x4000, s3, s1, $0x38;
	[tilespmem:$0x14280] =	vst v63  }
0x19: {  	_ =	swait.ge [sflag:s8], $0x4000  }
0x1a: {  	[sflag:s8] =	ssyncset.done $0x0  }
0x1b: {  	[sflag:s8] =	ssyncadd.s32 $0xFFFFC000  }
.LBB2_1:
0x1c: {  	s1 =	simm.s32 $0x0  }
0x1d: {  	[tilespmem:s1], [sflag:$0x3] =	stream.linear.gather [hbm4b:s4+s1], $0x200, $0x38;
	[tilespmem:$0x14280] =	vst v63  }
0x1e: {  	_ =	swait.ge [sflag:s8], $0x200  }
0x1f: {  	[sflag:s8] =	ssyncset.done $0x0  }
0x20: {  	[sflag:s8] =	ssyncadd.s32 $0xFFFFFE00  }
0x21: {  	v4 =	vld [tilespmem:$0x0];
	_ =	sdelay $0x4  }
0x22: {  	v5 =	vnsel vm0, $0x0, v4  }
0x23: {  	(xrf0) =	vadd.scan.msk.s32 $0xffff, v5;
	_ =	sdelay $0x1  }
0x24: {  	v5 =	vsel vm1, $0x0, v4  }
0x25: {  	(xrf0) =	vadd.scan.msk.s32 $0xffff, v5;
	_ =	sdelay $0x2  }
0x26: {  	v5, _, _ =	vpop (xrf0)  }
0x27: {  	(v2sf) =	vpush v5, $0xF;
	v5 =	vsel vm2, $0x0, v4  }
0x28: {  	(xrf0) =	vadd.scan.msk.s32 $0xffff, v5  }
0x29: {  	v6, _, _ =	vpop (xrf0);
	v5 =	vsel vm3, $0x0, v4  }
0x2a: {  	(v2sf) =	vpush v6, $0xF;
	(xrf0) =	vadd.scan.msk.s32 $0xffff, v5;
	v5 =	vsel vm4, $0x0, v4  }
0x2b: {  	(xrf0) =	vadd.scan.msk.s32 $0xffff, v5;
	_ =	sdelay $0x2  }
0x2c: {  	v5, _, _ =	vpop (xrf0)  }
0x2d: {  	(v2sf) =	vpush v5, $0xF  }
0x2e: {  	v5 =	vsel vm5, $0x0, v4;
	v62, _, _ =	vpop (xrf0)  }
0x2f: {  	(xrf0) =	vadd.scan.msk.s32 $0xffff, v5;
	(v2sf) =	vpush v62, $0xF;
	v5 =	vsel vm6, $0x0, v4;
	v63, _, _ =	vpop (xrf0)  }
0x30: {  	(xrf0) =	vadd.scan.msk.s32 $0xffff, v5;
	(v2sf) =	vpush v63, $0xF;
	_ =	sdelay $0x2  }
0x31: {  	v4 =	vsel vm7, $0x0, v4;
	_ =	sdelay $0x1  }
0x32: {  	v5, _, _ =	vpop (xrf0);
	(xrf0) =	vadd.scan.msk.s32 $0xffff, v4  }
0x33: {  	s30 =	spop (v2sf);
	(v2sf) =	vpush v5, $0xF;
	v4, _, _ =	vpop (xrf0)  }
0x34: {  	s31 =	spop (v2sf);
	(v2sf) =	vpush v4, $0xF  }
0x35: {  	s1 =	sand.u32 $0xFFFFF80, s30  }
0x36: {  	s1 =	sadd.s32 s0, s1  }
0x37: {  	[tilespmem:s10], [sflag:$0x1] =	stream.strided.gather [hbm4b:s1+s7], $0x1000, s9, s7, $0x38;
	[tilespmem:$0x14280] =	vst v63  }
0x38: {  	s1 =	sand.u32 $0xFFFFF80, s31;
	v4, _, _ =	vpop (xrf0)  }
0x39: {  	s1 =	sadd.s32 s0, s1;
	s3 =	spop (v2sf);
	(v2sf) =	vpush v4, $0xF  }
0x3a: {  	[tilespmem:s11], [sflag:$0x1] =	stream.strided.gather [hbm4b:s1+s7], $0x1000, s9, s7, $0x38;
	[tilespmem:$0x14280] =	vst v63  }
0x3b: {  	s1 =	sand.u32 $0xFFFFF80, s3;
	s3 =	spop (v2sf)  }
0x3c: {  	s1 =	sadd.s32 s0, s1;
	s30 =	sand.u32 $0xFFFFF80, s3;
	s31 =	spop (v2sf)  }
0x3d: {  	[tilespmem:s12], [sflag:$0x1] =	stream.strided.gather [hbm4b:s1+s7], $0x1000, s9, s7, $0x38;
	[tilespmem:$0x14280] =	vst v63  }
0x3e: {  	s1 =	sadd.s32 s0, s30;
	s30 =	sand.u32 $0xFFFFF80, s31  }
0x3f: {  	[tilespmem:s13], [sflag:$0x1] =	stream.strided.gather [hbm4b:s1+s7], $0x1000, s9, s7, $0x38;
	[tilespmem:$0x14280] =	vst v63  }
0x40: {  	s1 =	sadd.s32 s0, s30  }
0x41: {  	[tilespmem:s14], [sflag:$0x1] =	stream.strided.gather [hbm4b:s1+s7], $0x1000, s9, s7, $0x38;
	[tilespmem:$0x14280] =	vst v63  }
0x42: {  	s31 =	spop (v2sf)  }
0x43: {  	s30 =	sand.u32 $0xFFFFF80, s31;
	s31 =	spop (v2sf)  }
0x44: {  	s1 =	sadd.s32 s0, s30;
	s30 =	sand.u32 $0xFFFFF80, s31  }
0x45: {  	[tilespmem:s15], [sflag:$0x1] =	stream.strided.gather [hbm4b:s1+s7], $0x1000, s9, s7, $0x38;
	[tilespmem:$0x14280] =	vst v63  }
0x46: {  	s1 =	sadd.s32 s0, s30  }
0x47: {  	[tilespmem:s16], [sflag:$0x1] =	stream.strided.gather [hbm4b:s1+s7], $0x1000, s9, s7, $0x38;
	[tilespmem:$0x14280] =	vst v63  }
.Ltmp2:
0x48: {  	s31 =	spop (v2sf);
	(pc) =	sbr.rel .LBB2_2-.Ltmp2, $4  }
0x49: {  	s1 =	sand.u32 $0xFFFFF80, s31  }
0x4a: {  	s1 =	sadd.s32 s0, s1  }
0x4b: {  	[tilespmem:s17], [sflag:$0x1] =	stream.strided.gather [hbm4b:s1+s7], $0x1000, s9, s7, $0x38;
	[tilespmem:$0x14280] =	vst v63  }
0x4c: {  	s3 =	simm.s32 $0x0;
	s1 =	simm.s32 $0x8  }
.LBB2_4:
0x4d: {  	_ =	swait.ge [sflag:s29], $0x1000  }
0x4e: {  	[sflag:s29] =	ssyncset.done $0x0  }
0x4f: {  	[sflag:s29] =	ssyncadd.s32 $0xFFFFF000  }
0x50: {  	_ =	swait.ge [sflag:s29], $0x1000  }
0x51: {  	[sflag:s29] =	ssyncset.done $0x0  }
0x52: {  	[sflag:s29] =	ssyncadd.s32 $0xFFFFF000  }
0x53: {  	_ =	swait.ge [sflag:s29], $0x1000  }
0x54: {  	[sflag:s29] =	ssyncset.done $0x0  }
0x55: {  	[sflag:s29] =	ssyncadd.s32 $0xFFFFF000  }
0x56: {  	_ =	swait.ge [sflag:s29], $0x1000  }
0x57: {  	[sflag:s29] =	ssyncset.done $0x0  }
0x58: {  	[sflag:s29] =	ssyncadd.s32 $0xFFFFF000  }
0x59: {  	_ =	swait.ge [sflag:s29], $0x1000  }
0x5a: {  	[sflag:s29] =	ssyncset.done $0x0  }
0x5b: {  	[sflag:s29] =	ssyncadd.s32 $0xFFFFF000  }
0x5c: {  	_ =	swait.ge [sflag:s29], $0x1000  }
0x5d: {  	[sflag:s29] =	ssyncset.done $0x0  }
0x5e: {  	[sflag:s29] =	ssyncadd.s32 $0xFFFFF000  }
0x5f: {  	_ =	swait.ge [sflag:s29], $0x1000  }
0x60: {  	[sflag:s29] =	ssyncset.done $0x0  }
0x61: {  	[sflag:s29] =	ssyncadd.s32 $0xFFFFF000  }
0x62: {  	_ =	swait.ge [sflag:s29], $0x1000  }
0x63: {  	[sflag:s29] =	ssyncset.done $0x0  }
0x64: {  	[sflag:s29] =	ssyncadd.s32 $0xFFFFF000  }
0x65: {  	v4 =	vld [tilespmem:s1+$0x0];
	_ =	sdelay $0x4  }
0x66: {  	v5 =	vnsel vm0, $0x0, v4  }
0x67: {  	(xrf0) =	vadd.scan.msk.s32 $0xffff, v5;
	_ =	sdelay $0x5  }
0x68: {  	v6 =	vsel vm1, $0x0, v4;
	v5, _, _ =	vpop (xrf0)  }
0x69: {  	(xrf0) =	vadd.scan.msk.s32 $0xffff, v6;
	(v2sf) =	vpush v5, $0xF;
	_ =	sdelay $0x5  }
0x6a: {  	v16 =	vsel vm2, $0x0, v4;
	v5, _, _ =	vpop (xrf0)  }
0x6b: {  	(xrf0) =	vadd.scan.msk.s32 $0xffff, v16;
	(v2sf) =	vpush v5, $0xF;
	_ =	sdelay $0x5  }
0x6c: {  	v17 =	vsel vm3, $0x0, v4;
	v5, _, _ =	vpop (xrf0)  }
0x6d: {  	(xrf0) =	vadd.scan.msk.s32 $0xffff, v17;
	(v2sf) =	vpush v5, $0xF  }
0x6e: {  	s30 =	spop (v2sf)  }
0x6f: {  	s30 =	sand.u32 $0x7F, s30  }
0x70: {  	s31 =	sadd.s32 $0x8, s3;
	v5 =	vor.u32 s30, v0  }
0x71: {  	v18 =	vmov s31;
	v7 =	vor.u32 s30, v3  }
0x72: {  	v8 =	vshll.u32 v18, $0x3  }
0x73: {  	v8 =	vand.u32 $0x7FFFFC00, v8;
	v10 =	vsel vm4, $0x0, v4;
	v6 =	vand.u32 $0x78, v18;
	v9, _, _ =	vpop (xrf0)  }
0x74: {  	v6 =	vor.u32 v6, v8;
	(xrf0) =	vadd.scan.msk.s32 $0xffff, v10;
	(v2sf) =	vpush v9, $0xF  }
0x75: {  	v8 =	vadd.s32 v1, v6;
	s31 =	spop (v2sf);
	v5 =	vld.idx.msk [tilespmem:v5+s18+$0x0], $0xffff  }
0x76: {  	v6 =	vadd.s32 v2, v6;
	v7 =	vld.idx.msk [tilespmem:v7+s18+$0x0], $0xffff;
	s30 =	sand.u32 $0x7F, s31  }
0x77: {  	s31 =	sadd.s32 $0x9, s3;
	v19 =	vor.u32 s30, v0  }
0x78: {  	v20 =	vmov s31;
	v11 =	vor.u32 s30, v3  }
0x79: {  	v12 =	vshll.u32 v20, $0x3  }
0x7a: {  	v23 =	vsel vm5, $0x0, v4;
	v22, _, _ =	vpop (xrf0);
	v21 =	vand.u32 $0x7FFFFC00, v12;
	[tilespmem:v8+s28+$0x0] =	vst.idx.msk $0xffff, v5;
	v5 =	vand.u32 $0x79, v20  }
0x7b: {  	(xrf0) =	vadd.scan.msk.s32 $0xffff, v23;
	(v2sf) =	vpush v22, $0xF;
	[tilespmem:v6+s28+$0x0] =	vst.idx.msk $0xffff, v7;
	v5 =	vor.u32 v5, v21  }
0x7c: {  	s31 =	spop (v2sf);
	v6 =	vld.idx.msk [tilespmem:v19+s19+$0x0], $0xffff;
	v24 =	vadd.s32 v1, v5  }
0x7d: {  	s30 =	sand.u32 $0x7F, s31;
	v25 =	vld.idx.msk [tilespmem:v11+s19+$0x0], $0xffff;
	v5 =	vadd.s32 v2, v5  }
0x7e: {  	s31 =	sadd.s32 $0xA, s3;
	v26 =	vor.u32 s30, v0  }
0x7f: {  	v27 =	vmov s31;
	v28 =	vor.u32 s30, v3  }
0x80: {  	v29 =	vshll.u32 v27, $0x3  }
0x81: {  	v33 =	vsel vm6, $0x0, v4;
	v32, _, _ =	vpop (xrf0);
	v30 =	vand.u32 $0x7A, v27;
	v31 =	vand.u32 $0x7FFFFC00, v29;
	[tilespmem:v24+s28+$0x0] =	vst.idx.msk $0xffff, v6  }
0x82: {  	(xrf0) =	vadd.scan.msk.s32 $0xffff, v33;
	(v2sf) =	vpush v32, $0xF;
	[tilespmem:v5+s28+$0x0] =	vst.idx.msk $0xffff, v25;
	v5 =	vor.u32 v30, v31  }
0x83: {  	s31 =	spop (v2sf);
	v34 =	vld.idx.msk [tilespmem:v26+s20+$0x0], $0xffff;
	v7 =	vadd.s32 v1, v5  }
0x84: {  	s30 =	sand.u32 $0x7F, s31;
	v8 =	vld.idx.msk [tilespmem:v28+s20+$0x0], $0xffff;
	v5 =	vadd.s32 v2, v5  }
0x85: {  	s31 =	sadd.s32 $0xB, s3;
	v35 =	vor.u32 s30, v0  }
0x86: {  	v36 =	vmov s31;
	v37 =	vor.u32 s30, v3  }
0x87: {  	v38 =	vshll.u32 v36, $0x3  }
0x88: {  	v4 =	vsel vm7, $0x0, v4;
	v41, _, _ =	vpop (xrf0);
	v39 =	vand.u32 $0x7B, v36;
	v40 =	vand.u32 $0x7FFFFC00, v38;
	[tilespmem:v7+s28+$0x0] =	vst.idx.msk $0xffff, v34  }
0x89: {  	(xrf0) =	vadd.scan.msk.s32 $0xffff, v4;
	(v2sf) =	vpush v41, $0xF;
	[tilespmem:v5+s28+$0x0] =	vst.idx.msk $0xffff, v8;
	v5 =	vor.u32 v39, v40  }
0x8a: {  	s31 =	spop (v2sf);
	v4 =	vld.idx.msk [tilespmem:v35+s21+$0x0], $0xffff;
	v6 =	vadd.s32 v1, v5  }
0x8b: {  	s30 =	sand.u32 $0x7F, s31;
	v42 =	vld.idx.msk [tilespmem:v37+s21+$0x0], $0xffff;
	v5 =	vadd.s32 v2, v5  }
0x8c: {  	s31 =	sadd.s32 $0xC, s3;
	v43 =	vor.u32 s30, v0  }
0x8d: {  	v44 =	vmov s31;
	v45 =	vor.u32 s30, v3  }
0x8e: {  	v46 =	vshll.u32 v44, $0x3  }
0x8f: {  	v48, _, _ =	vpop (xrf0);
	v47 =	vand.u32 $0x7FFFFC00, v46;
	[tilespmem:v6+s28+$0x0] =	vst.idx.msk $0xffff, v4;
	v4 =	vand.u32 $0x7C, v44  }
0x90: {  	(v2sf) =	vpush v48, $0xF;
	[tilespmem:v5+s28+$0x0] =	vst.idx.msk $0xffff, v42;
	v4 =	vor.u32 v4, v47  }
0x91: {  	s31 =	spop (v2sf);
	v5 =	vld.idx.msk [tilespmem:v43+s22+$0x0], $0xffff;
	v6 =	vadd.s32 v1, v4  }
0x92: {  	s30 =	sand.u32 $0x7F, s31;
	v7 =	vld.idx.msk [tilespmem:v45+s22+$0x0], $0xffff;
	v4 =	vadd.s32 v2, v4  }
0x93: {  	s31 =	sadd.s32 $0xD, s3;
	v49 =	vor.u32 s30, v0  }
0x94: {  	v50 =	vmov s31;
	v51 =	vor.u32 s30, v3  }
0x95: {  	v52 =	vshll.u32 v50, $0x3  }
0x96: {  	v53 =	vand.u32 $0x7FFFFC00, v52;
	[tilespmem:v6+s28+$0x0] =	vst.idx.msk $0xffff, v5;
	v5 =	vand.u32 $0x7D, v50  }
0x97: {  	[tilespmem:v4+s28+$0x0] =	vst.idx.msk $0xffff, v7;
	v4 =	vor.u32 v5, v53  }
0x98: {  	s31 =	spop (v2sf);
	v5 =	vld.idx.msk [tilespmem:v49+s23+$0x0], $0xffff;
	v6 =	vadd.s32 v1, v4  }
0x99: {  	s30 =	sand.u32 $0x7F, s31;
	v7 =	vld.idx.msk [tilespmem:v51+s23+$0x0], $0xffff;
	v4 =	vadd.s32 v2, v4  }
0x9a: {  	s31 =	sadd.s32 $0xE, s3;
	v54 =	vor.u32 s30, v0  }
0x9b: {  	v55 =	vmov s31;
	v56 =	vor.u32 s30, v3  }
0x9c: {  	v57 =	vshll.u32 v55, $0x3  }
0x9d: {  	v58 =	vand.u32 $0x7FFFFC00, v57;
	[tilespmem:v6+s28+$0x0] =	vst.idx.msk $0xffff, v5;
	v5 =	vand.u32 $0x7E, v55  }
0x9e: {  	[tilespmem:v4+s28+$0x0] =	vst.idx.msk $0xffff, v7;
	v4 =	vor.u32 v5, v58  }
0x9f: {  	s31 =	spop (v2sf);
	v5 =	vld.idx.msk [tilespmem:v54+s24+$0x0], $0xffff;
	v6 =	vadd.s32 v1, v4  }
0xa0: {  	s30 =	sand.u32 $0x7F, s31;
	v7 =	vld.idx.msk [tilespmem:v56+s24+$0x0], $0xffff;
	v4 =	vadd.s32 v2, v4  }
0xa1: {  	s31 =	sadd.s32 $0xF, s3;
	v59 =	vor.u32 s30, v0  }
0xa2: {  	v60 =	vmov s31;
	v61 =	vor.u32 s30, v3  }
0xa3: {  	v62 =	vshll.u32 v60, $0x3  }
0xa4: {  	v63 =	vand.u32 $0x7FFFFC00, v62;
	[tilespmem:v6+s28+$0x0] =	vst.idx.msk $0xffff, v5;
	v5 =	vand.u32 $0x7F, v60  }
0xa5: {  	[tilespmem:v4+s28+$0x0] =	vst.idx.msk $0xffff, v7;
	v4 =	vor.u32 v5, v63  }
0xa6: {  	s3 =	sadd.s32 $0x10, s3;
	v5 =	vld.idx.msk [tilespmem:v59+s25+$0x0], $0xffff;
	v6 =	vadd.s32 v1, v4  }
0xa7: {  	p0 =	sne.s32 s3, $0x200;
	v7 =	vld.idx.msk [tilespmem:v61+s25+$0x0], $0xffff;
	v4 =	vadd.s32 v2, v4  }
.Ltmp3:
0xa8: {  	_ = 	snop;
	(pc) =	sbr.rel @!p0 .LBB2_5-.Ltmp3, $3  }
0xa9: {  	_ =	sdelay $0x1  }
0xaa: {  	[tilespmem:v6+s28+$0x0] =	vst.idx.msk $0xffff, v5  }
0xab: {  	s1 =	sadd.s32 $0x10, s1;
	[tilespmem:v4+s28+$0x0] =	vst.idx.msk $0xffff, v7  }
.LBB2_2:
0xac: {  	v4 =	vld [tilespmem:s1+$0x0];
	_ =	sdelay $0x4  }
0xad: {  	v5 =	vnsel vm0, $0x0, v4  }
0xae: {  	(xrf0) =	vadd.scan.msk.s32 $0xffff, v5;
	_ =	sdelay $0x2  }
0xaf: {  	v5 =	vsel vm1, $0x0, v4  }
0xb0: {  	(xrf0) =	vadd.scan.msk.s32 $0xffff, v5;
	_ =	sdelay $0x1  }
0xb1: {  	v5, _, _ =	vpop (xrf0)  }
0xb2: {  	(v2sf) =	vpush v5, $0xF;
	v5 =	vsel vm2, $0x0, v4  }
0xb3: {  	(xrf0) =	vadd.scan.msk.s32 $0xffff, v5;
	_ =	sdelay $0x1  }
0xb4: {  	v5, _, _ =	vpop (xrf0)  }
0xb5: {  	(v2sf) =	vpush v5, $0xF;
	v5 =	vsel vm3, $0x0, v4  }
0xb6: {  	(xrf0) =	vadd.scan.msk.s32 $0xffff, v5  }
0xb7: {  	v5 =	vsel vm4, $0x0, v4  }
0xb8: {  	v6, _, _ =	vpop (xrf0);
	(xrf0) =	vadd.scan.msk.s32 $0xffff, v5  }
0xb9: {  	(v2sf) =	vpush v6, $0xF;
	_ =	sdelay $0x1  }
0xba: {  	v14 =	vsel vm5, $0x0, v4  }
0xbb: {  	v5, _, _ =	vpop (xrf0);
	(xrf0) =	vadd.scan.msk.s32 $0xffff, v14  }
0xbc: {  	(v2sf) =	vpush v5, $0xF  }
0xbd: {  	v5, _, _ =	vpop (xrf0)  }
0xbe: {  	(v2sf) =	vpush v5, $0xF;
	v5 =	vsel vm6, $0x0, v4  }
0xbf: {  	s30 =	spop (v2sf)  }
0xc0: {  	v4 =	vsel vm7, $0x0, v4;
	(xrf0) =	vadd.scan.msk.s32 $0xffff, v5;
	s30 =	sand.u32 $0xFFFFF80, s30  }
0xc1: {  	s30 =	sadd.s32 s0, s30;
	v5, _, _ =	vpop (xrf0);
	(xrf0) =	vadd.scan.msk.s32 $0xffff, v4  }
0xc2: {  	[tilespmem:s18], [sflag:$0x2] =	stream.strided.gather [hbm4b:s30+s7], $0x1000, s9, s7, $0x38;
	[tilespmem:$0x14280] =	vst v63  }
0xc3: {  	(v2sf) =	vpush v5, $0xF;
	s31 =	spop (v2sf)  }
0xc4: {  	s30 =	sand.u32 $0xFFFFF80, s31  }
0xc5: {  	s30 =	sadd.s32 s0, s30  }
0xc6: {  	v4, _, _ =	vpop (xrf0);
	[tilespmem:s19], [sflag:$0x2] =	stream.strided.gather [hbm4b:s30+s7], $0x1000, s9, s7, $0x38;
	[tilespmem:$0x14280] =	vst v63  }
0xc7: {  	(v2sf) =	vpush v4, $0xF;
	s31 =	spop (v2sf)  }
0xc8: {  	v4, _, _ =	vpop (xrf0);
	s30 =	sand.u32 $0xFFFFF80, s31  }
0xc9: {  	(v2sf) =	vpush v4, $0xF;
	s30 =	sadd.s32 s0, s30  }
0xca: {  	[tilespmem:s20], [sflag:$0x2] =	stream.strided.gather [hbm4b:s30+s7], $0x1000, s9, s7, $0x38;
	[tilespmem:$0x14280] =	vst v63  }
0xcb: {  	s31 =	spop (v2sf)  }
0xcc: {  	s30 =	sand.u32 $0xFFFFF80, s31  }
0xcd: {  	s31 =	spop (v2sf);
	s30 =	sadd.s32 s0, s30  }
0xce: {  	[tilespmem:s21], [sflag:$0x2] =	stream.strided.gather [hbm4b:s30+s7], $0x1000, s9, s7, $0x38;
	[tilespmem:$0x14280] =	vst v63  }
0xcf: {  	s31 =	sand.u32 $0xFFFFF80, s31  }
0xd0: {  	s30 =	sadd.s32 s0, s31  }
0xd1: {  	[tilespmem:s22], [sflag:$0x2] =	stream.strided.gather [hbm4b:s30+s7], $0x1000, s9, s7, $0x38;
	[tilespmem:$0x14280] =	vst v63  }
0xd2: {  	s31 =	spop (v2sf)  }
0xd3: {  	s30 =	sand.u32 $0xFFFFF80, s31  }
0xd4: {  	s30 =	sadd.s32 s0, s30  }
0xd5: {  	[tilespmem:s23], [sflag:$0x2] =	stream.strided.gather [hbm4b:s30+s7], $0x1000, s9, s7, $0x38;
	[tilespmem:$0x14280] =	vst v63  }
0xd6: {  	s31 =	spop (v2sf)  }
0xd7: {  	s30 =	sand.u32 $0xFFFFF80, s31  }
0xd8: {  	s30 =	sadd.s32 s0, s30;
	s31 =	spop (v2sf)  }
0xd9: {  	[tilespmem:s24], [sflag:$0x2] =	stream.strided.gather [hbm4b:s30+s7], $0x1000, s9, s7, $0x38;
	[tilespmem:$0x14280] =	vst v63  }
0xda: {  	s30 =	sand.u32 $0xFFFFF80, s31  }
0xdb: {  	s30 =	sadd.s32 s0, s30  }
0xdc: {  	[tilespmem:s25], [sflag:$0x2] =	stream.strided.gather [hbm4b:s30+s7], $0x1000, s9, s7, $0x38;
	[tilespmem:$0x14280] =	vst v63  }
0xdd: {  	_ =	swait.ge [sflag:s26], $0x1000  }
0xde: {  	[sflag:s26] =	ssyncset.done $0x0  }
0xdf: {  	[sflag:s26] =	ssyncadd.s32 $0xFFFFF000  }
0xe0: {  	_ =	swait.ge [sflag:s26], $0x1000  }
0xe1: {  	[sflag:s26] =	ssyncset.done $0x0  }
0xe2: {  	[sflag:s26] =	ssyncadd.s32 $0xFFFFF000  }
0xe3: {  	_ =	swait.ge [sflag:s26], $0x1000  }
0xe4: {  	[sflag:s26] =	ssyncset.done $0x0  }
0xe5: {  	[sflag:s26] =	ssyncadd.s32 $0xFFFFF000  }
0xe6: {  	_ =	swait.ge [sflag:s26], $0x1000  }
0xe7: {  	[sflag:s26] =	ssyncset.done $0x0  }
0xe8: {  	[sflag:s26] =	ssyncadd.s32 $0xFFFFF000  }
0xe9: {  	_ =	swait.ge [sflag:s26], $0x1000  }
0xea: {  	[sflag:s26] =	ssyncset.done $0x0  }
0xeb: {  	[sflag:s26] =	ssyncadd.s32 $0xFFFFF000  }
0xec: {  	_ =	swait.ge [sflag:s26], $0x1000  }
0xed: {  	[sflag:s26] =	ssyncset.done $0x0  }
0xee: {  	[sflag:s26] =	ssyncadd.s32 $0xFFFFF000  }
0xef: {  	_ =	swait.ge [sflag:s26], $0x1000  }
0xf0: {  	[sflag:s26] =	ssyncset.done $0x0  }
0xf1: {  	[sflag:s26] =	ssyncadd.s32 $0xFFFFF000  }
0xf2: {  	_ =	swait.ge [sflag:s26], $0x1000  }
0xf3: {  	[sflag:s26] =	ssyncset.done $0x0  }
0xf4: {  	[sflag:s26] =	ssyncadd.s32 $0xFFFFF000  }
0xf5: {  	v4 =	vld [tilespmem:s1+$0xFFFFFFF8];
	_ =	sdelay $0x4  }
0xf6: {  	v5 =	vnsel vm0, $0x0, v4  }
0xf7: {  	(xrf0) =	vadd.scan.msk.s32 $0xffff, v5;
	_ =	sdelay $0x5  }
0xf8: {  	v15 =	vsel vm1, $0x0, v4;
	v5, _, _ =	vpop (xrf0)  }
0xf9: {  	(xrf0) =	vadd.scan.msk.s32 $0xffff, v15;
	(v2sf) =	vpush v5, $0xF;
	_ =	sdelay $0x5  }
0xfa: {  	v16 =	vsel vm2, $0x0, v4;
	v5, _, _ =	vpop (xrf0)  }
0xfb: {  	(xrf0) =	vadd.scan.msk.s32 $0xffff, v16;
	(v2sf) =	vpush v5, $0xF;
	_ =	sdelay $0x5  }
0xfc: {  	v17 =	vsel vm3, $0x0, v4;
	v5, _, _ =	vpop (xrf0)  }
0xfd: {  	(xrf0) =	vadd.scan.msk.s32 $0xffff, v17;
	(v2sf) =	vpush v5, $0xF  }
0xfe: {  	s31 =	spop (v2sf)  }
0xff: {  	s30 =	sand.u32 $0x7F, s31  }
0x100: {  	v5 =	vor.u32 s30, v0  }
0x101: {  	v18 =	vmov s3;
	v7 =	vor.u32 s30, v3  }
0x102: {  	v8 =	vshll.u32 v18, $0x3  }
0x103: {  	v8 =	vand.u32 $0xC00, v8;
	v6 =	vand.u32 $0x70, v18;
	v10 =	vsel vm4, $0x0, v4;
	v9, _, _ =	vpop (xrf0)  }
0x104: {  	v6 =	vor.u32 v6, v8;
	(xrf0) =	vadd.scan.msk.s32 $0xffff, v10;
	(v2sf) =	vpush v9, $0xF  }
0x105: {  	v8 =	vor.u32 v1, v6;
	s31 =	spop (v2sf);
	v5 =	vld.idx.msk [tilespmem:v5+s10+$0x0], $0xffff  }
0x106: {  	v6 =	vor.u32 v2, v6;
	v7 =	vld.idx.msk [tilespmem:v7+s10+$0x0], $0xffff;
	s30 =	sand.u32 $0x7F, s31  }
0x107: {  	s31 =	sadd.s32 $0x1, s3;
	v19 =	vor.u32 s30, v0  }
0x108: {  	v20 =	vmov s31;
	v11 =	vor.u32 s30, v3  }
0x109: {  	v12 =	vshll.u32 v20, $0x3  }
0x10a: {  	v23 =	vsel vm5, $0x0, v4;
	v22, _, _ =	vpop (xrf0);
	v21 =	vand.u32 $0xC00, v12;
	[tilespmem:v8+s28+$0x0] =	vst.idx.msk $0xffff, v5;
	v5 =	vand.u32 $0x71, v20  }
0x10b: {  	(xrf0) =	vadd.scan.msk.s32 $0xffff, v23;
	(v2sf) =	vpush v22, $0xF;
	[tilespmem:v6+s28+$0x0] =	vst.idx.msk $0xffff, v7;
	v5 =	vor.u32 v5, v21  }
0x10c: {  	s31 =	spop (v2sf);
	v6 =	vld.idx.msk [tilespmem:v19+s11+$0x0], $0xffff;
	v24 =	vor.u32 v1, v5  }
0x10d: {  	s30 =	sand.u32 $0x7F, s31;
	v25 =	vld.idx.msk [tilespmem:v11+s11+$0x0], $0xffff;
	v5 =	vor.u32 v2, v5  }
0x10e: {  	s31 =	sadd.s32 $0x2, s3;
	v26 =	vor.u32 s30, v0  }
0x10f: {  	v27 =	vmov s31;
	v28 =	vor.u32 s30, v3  }
0x110: {  	v29 =	vshll.u32 v27, $0x3  }
0x111: {  	v33 =	vsel vm6, $0x0, v4;
	v32, _, _ =	vpop (xrf0);
	v30 =	vand.u32 $0x72, v27;
	v31 =	vand.u32 $0xC00, v29;
	[tilespmem:v24+s28+$0x0] =	vst.idx.msk $0xffff, v6  }
0x112: {  	(xrf0) =	vadd.scan.msk.s32 $0xffff, v33;
	(v2sf) =	vpush v32, $0xF;
	[tilespmem:v5+s28+$0x0] =	vst.idx.msk $0xffff, v25;
	v5 =	vor.u32 v30, v31  }
0x113: {  	s31 =	spop (v2sf);
	v34 =	vld.idx.msk [tilespmem:v26+s12+$0x0], $0xffff;
	v7 =	vor.u32 v1, v5  }
0x114: {  	s30 =	sand.u32 $0x7F, s31;
	v8 =	vld.idx.msk [tilespmem:v28+s12+$0x0], $0xffff;
	v5 =	vor.u32 v2, v5  }
0x115: {  	s31 =	sadd.s32 $0x3, s3;
	v35 =	vor.u32 s30, v0  }
0x116: {  	v36 =	vmov s31;
	v37 =	vor.u32 s30, v3  }
0x117: {  	v38 =	vshll.u32 v36, $0x3  }
0x118: {  	v4 =	vsel vm7, $0x0, v4;
	v41, _, _ =	vpop (xrf0);
	v39 =	vand.u32 $0x73, v36;
	v40 =	vand.u32 $0xC00, v38;
	[tilespmem:v7+s28+$0x0] =	vst.idx.msk $0xffff, v34  }
0x119: {  	(xrf0) =	vadd.scan.msk.s32 $0xffff, v4;
	(v2sf) =	vpush v41, $0xF;
	[tilespmem:v5+s28+$0x0] =	vst.idx.msk $0xffff, v8;
	v5 =	vor.u32 v39, v40  }
0x11a: {  	s31 =	spop (v2sf);
	v4 =	vld.idx.msk [tilespmem:v35+s13+$0x0], $0xffff;
	v6 =	vor.u32 v1, v5  }
0x11b: {  	s30 =	sand.u32 $0x7F, s31;
	v42 =	vld.idx.msk [tilespmem:v37+s13+$0x0], $0xffff;
	v5 =	vor.u32 v2, v5  }
0x11c: {  	s31 =	sadd.s32 $0x4, s3;
	v43 =	vor.u32 s30, v0  }
0x11d: {  	v44 =	vmov s31;
	v45 =	vor.u32 s30, v3  }
0x11e: {  	v46 =	vshll.u32 v44, $0x3  }
0x11f: {  	v48, _, _ =	vpop (xrf0);
	v47 =	vand.u32 $0xC00, v46;
	[tilespmem:v6+s28+$0x0] =	vst.idx.msk $0xffff, v4;
	v4 =	vand.u32 $0x74, v44  }
0x120: {  	(v2sf) =	vpush v48, $0xF;
	[tilespmem:v5+s28+$0x0] =	vst.idx.msk $0xffff, v42;
	v4 =	vor.u32 v4, v47  }
0x121: {  	s31 =	spop (v2sf);
	v5 =	vld.idx.msk [tilespmem:v43+s14+$0x0], $0xffff;
	v6 =	vor.u32 v1, v4  }
0x122: {  	s30 =	sand.u32 $0x7F, s31;
	v7 =	vld.idx.msk [tilespmem:v45+s14+$0x0], $0xffff;
	v4 =	vor.u32 v2, v4  }
0x123: {  	s31 =	sadd.s32 $0x5, s3;
	v49 =	vor.u32 s30, v0  }
0x124: {  	v50 =	vmov s31;
	v51 =	vor.u32 s30, v3  }
0x125: {  	v52 =	vshll.u32 v50, $0x3  }
0x126: {  	v53 =	vand.u32 $0xC00, v52;
	[tilespmem:v6+s28+$0x0] =	vst.idx.msk $0xffff, v5;
	v5 =	vand.u32 $0x75, v50  }
0x127: {  	[tilespmem:v4+s28+$0x0] =	vst.idx.msk $0xffff, v7;
	v4 =	vor.u32 v5, v53  }
0x128: {  	s31 =	spop (v2sf);
	v5 =	vld.idx.msk [tilespmem:v49+s15+$0x0], $0xffff;
	v6 =	vor.u32 v1, v4  }
0x129: {  	s30 =	sand.u32 $0x7F, s31;
	v7 =	vld.idx.msk [tilespmem:v51+s15+$0x0], $0xffff;
	v4 =	vor.u32 v2, v4  }
0x12a: {  	s31 =	sadd.s32 $0x6, s3;
	v54 =	vor.u32 s30, v0  }
0x12b: {  	v55 =	vmov s31;
	v56 =	vor.u32 s30, v3  }
0x12c: {  	v57 =	vshll.u32 v55, $0x3  }
0x12d: {  	v58 =	vand.u32 $0xC00, v57;
	[tilespmem:v6+s28+$0x0] =	vst.idx.msk $0xffff, v5;
	v5 =	vand.u32 $0x76, v55  }
0x12e: {  	[tilespmem:v4+s28+$0x0] =	vst.idx.msk $0xffff, v7;
	v4 =	vor.u32 v5, v58  }
0x12f: {  	s31 =	spop (v2sf);
	v5 =	vld.idx.msk [tilespmem:v54+s16+$0x0], $0xffff;
	v6 =	vor.u32 v1, v4  }
0x130: {  	s30 =	sand.u32 $0x7F, s31;
	v7 =	vld.idx.msk [tilespmem:v56+s16+$0x0], $0xffff;
	v4 =	vor.u32 v2, v4  }
0x131: {  	s31 =	sadd.s32 $0x7, s3;
	v59 =	vor.u32 s30, v0  }
0x132: {  	v60 =	vmov s31;
	v61 =	vor.u32 s30, v3  }
0x133: {  	v62 =	vshll.u32 v60, $0x3  }
0x134: {  	v63 =	vand.u32 $0xC00, v62;
	[tilespmem:v6+s28+$0x0] =	vst.idx.msk $0xffff, v5;
	v5 =	vand.u32 $0x77, v60  }
0x135: {  	[tilespmem:v4+s28+$0x0] =	vst.idx.msk $0xffff, v7;
	v4 =	vor.u32 v5, v63  }
0x136: {  	v5 =	vld.idx.msk [tilespmem:v59+s17+$0x0], $0xffff;
	v6 =	vor.u32 v1, v4  }
0x137: {  	p0 =	seq.s32 s3, $0x1F0;
	v7 =	vld.idx.msk [tilespmem:v61+s17+$0x0], $0xffff;
	v4 =	vor.u32 v2, v4  }
.Ltmp4:
0x138: {  	_ = 	snop;
	(pc) =	sbr.rel @p0 .LBB2_4-.Ltmp4, $3  }
0x139: {  	_ =	sdelay $0x1  }
0x13a: {  	[tilespmem:v6+s28+$0x0] =	vst.idx.msk $0xffff, v5  }
0x13b: {  	[tilespmem:v4+s28+$0x0] =	vst.idx.msk $0xffff, v7  }
0x13c: {  	v4 =	vld [tilespmem:s1+$0x8];
	_ =	sdelay $0x4  }
0x13d: {  	v5 =	vnsel vm0, $0x0, v4  }
0x13e: {  	(xrf0) =	vadd.scan.msk.s32 $0xffff, v5;
	_ =	sdelay $0x2  }
0x13f: {  	v5 =	vsel vm1, $0x0, v4  }
0x140: {  	(xrf0) =	vadd.scan.msk.s32 $0xffff, v5;
	_ =	sdelay $0x1  }
0x141: {  	v5, _, _ =	vpop (xrf0)  }
0x142: {  	(v2sf) =	vpush v5, $0xF;
	v5 =	vsel vm2, $0x0, v4  }
0x143: {  	(xrf0) =	vadd.scan.msk.s32 $0xffff, v5;
	_ =	sdelay $0x1  }
0x144: {  	v5, _, _ =	vpop (xrf0)  }
0x145: {  	(v2sf) =	vpush v5, $0xF;
	v5 =	vsel vm3, $0x0, v4  }
0x146: {  	(xrf0) =	vadd.scan.msk.s32 $0xffff, v5;
	_ =	sdelay $0x1  }
0x147: {  	v5, _, _ =	vpop (xrf0)  }
0x148: {  	(v2sf) =	vpush v5, $0xF;
	v5 =	vsel vm4, $0x0, v4  }
0x149: {  	(xrf0) =	vadd.scan.msk.s32 $0xffff, v5;
	_ =	sdelay $0x1  }
0x14a: {  	v5, _, _ =	vpop (xrf0)  }
0x14b: {  	(v2sf) =	vpush v5, $0xF;
	v5 =	vsel vm5, $0x0, v4  }
0x14c: {  	(xrf0) =	vadd.scan.msk.s32 $0xffff, v5;
	_ =	sdelay $0x1  }
0x14d: {  	s30 =	spop (v2sf);
	v5, _, _ =	vpop (xrf0)  }
0x14e: {  	s30 =	sand.u32 $0xFFFFF80, s30;
	(v2sf) =	vpush v5, $0xF;
	v5 =	vsel vm6, $0x0, v4  }
0x14f: {  	s30 =	sadd.s32 s0, s30;
	(xrf0) =	vadd.scan.msk.s32 $0xffff, v5  }
0x150: {  	[tilespmem:s10], [sflag:$0x1] =	stream.strided.gather [hbm4b:s30+s7], $0x1000, s9, s7, $0x38;
	[tilespmem:$0x14280] =	vst v63  }
0x151: {  	s31 =	spop (v2sf);
	v5, _, _ =	vpop (xrf0)  }
0x152: {  	v4 =	vsel vm7, $0x0, v4;
	s30 =	sand.u32 $0xFFFFF80, s31;
	(v2sf) =	vpush v5, $0xF  }
0x153: {  	(xrf0) =	vadd.scan.msk.s32 $0xffff, v4;
	s30 =	sadd.s32 s0, s30  }
0x154: {  	[tilespmem:s11], [sflag:$0x1] =	stream.strided.gather [hbm4b:s30+s7], $0x1000, s9, s7, $0x38;
	[tilespmem:$0x14280] =	vst v63  }
0x155: {  	v4, _, _ =	vpop (xrf0);
	s31 =	spop (v2sf)  }
0x156: {  	s30 =	sand.u32 $0xFFFFF80, s31;
	(v2sf) =	vpush v4, $0xF  }
0x157: {  	s30 =	sadd.s32 s0, s30  }
0x158: {  	[tilespmem:s12], [sflag:$0x1] =	stream.strided.gather [hbm4b:s30+s7], $0x1000, s9, s7, $0x38;
	[tilespmem:$0x14280] =	vst v63  }
0x159: {  	s31 =	spop (v2sf)  }
0x15a: {  	v4, _, _ =	vpop (xrf0);
	s30 =	sand.u32 $0xFFFFF80, s31  }
0x15b: {  	(v2sf) =	vpush v4, $0xF;
	s30 =	sadd.s32 s0, s30  }
0x15c: {  	[tilespmem:s13], [sflag:$0x1] =	stream.strided.gather [hbm4b:s30+s7], $0x1000, s9, s7, $0x38;
	[tilespmem:$0x14280] =	vst v63  }
0x15d: {  	s31 =	spop (v2sf)  }
0x15e: {  	s30 =	sand.u32 $0xFFFFF80, s31  }
0x15f: {  	s30 =	sadd.s32 s0, s30  }
0x160: {  	[tilespmem:s14], [sflag:$0x1] =	stream.strided.gather [hbm4b:s30+s7], $0x1000, s9, s7, $0x38;
	[tilespmem:$0x14280] =	vst v63  }
0x161: {  	s31 =	spop (v2sf)  }
0x162: {  	s30 =	sand.u32 $0xFFFFF80, s31  }
0x163: {  	s30 =	sadd.s32 s0, s30  }
0x164: {  	[tilespmem:s15], [sflag:$0x1] =	stream.strided.gather [hbm4b:s30+s7], $0x1000, s9, s7, $0x38;
	[tilespmem:$0x14280] =	vst v63  }
0x165: {  	s31 =	spop (v2sf)  }
0x166: {  	s30 =	sand.u32 $0xFFFFF80, s31  }
0x167: {  	s30 =	sadd.s32 s0, s30  }
0x168: {  	[tilespmem:s16], [sflag:$0x1] =	stream.strided.gather [hbm4b:s30+s7], $0x1000, s9, s7, $0x38;
	[tilespmem:$0x14280] =	vst v63  }
.Ltmp5:
0x169: {  	_ = 	snop;
	(pc) =	sbr.rel .LBB2_4-.Ltmp5, $4  }
0x16a: {  	s31 =	spop (v2sf)  }
0x16b: {  	s30 =	sand.u32 $0xFFFFF80, s31  }
0x16c: {  	s30 =	sadd.s32 s0, s30  }
0x16d: {  	[tilespmem:s17], [sflag:$0x1] =	stream.strided.gather [hbm4b:s30+s7], $0x1000, s9, s7, $0x38;
	[tilespmem:$0x14280] =	vst v63  }
.LBB2_6:
0x16e: {  	_ =	sfence.sel $0x180000  }
0x16f: {  	[bflag:$0x0] =	sbarrier.arrive $0xFFFF  }
0x170: {  	_ =	strace $0x90000047  }
0x171: {  	s0 =	stileid.u32;
	[bflag:$0x2] =	sbarrier.arrive $0xFFFF  }
0x172: {  	p0 =	sne.s32 s0, $0x0;
	s0 =	rddreg [dreg:$0x3]  }
0x173: {  	s0 =	sadd.s32 @!p0 $0x100000, s0  }
0x174: {  	[sflag:s0] =	ssyncadd.tile.s32 @!p0 $0x1;
	_ =	shalt  }
.Lfunc_end2:
_tile_overlayer_lowered:
.L_overlay_start_2:
0x175: {  	(tag) =	ssettag $0x2  }
0x176: {  	s0 =	rddreg [dreg:$0x0];
	s2 =	stileid.u32  }
0x177: {  	s1 =	rddreg [dreg:$0x1];
	p0 =	sne.s32 s2, $0x0  }
0x178: {  	s3 =	rddreg [dreg:$0x2];
	[bflag:$0x3] =	sbarrier.arrive $0xFFFF;
	s2 =	simm.s32 @!p0 $0x1C03  }
0x179: {  	[timem:s3], [sflag:s2] =	dma.local @!p0 [hbm:s0], s1  }
0x17a: {  	s0 =	simm.s32 @!p0 $0x3  }
0x17b: {  	_ =	swait.ge @!p0 [sflag:s0], s1  }
0x17c: {  	s1 =	ssub.s32 @!p0 $0x0, s1;
	[sflag:s0] =	ssyncset.done @!p0 $0x0  }
0x17d: {  	[sflag:s0] =	ssyncadd.s32 @!p0 s1  }
0x17e: {  	[bflag:$0x3] =	sbarrier.arrive $0xFFFF  }
0x17f: {  	_ =	shalt  }

</sc_bundles>
